<compile_context>
chip_gen: v7x
topology: tpu7x:2x2x1
jax: 0.10.2.dev20260603
libtpu: 0.0.44.dev20260713+nightly
codegen_flags: <defaults>
</compile_context>

<pallas_src>
import functools

import jax
import jax.numpy as jnp
from jax import lax
from jax.experimental import pallas as pl
from jax.experimental.pallas import tpu as pltpu
from jax.experimental.pallas import tpu_sc as plsc

N_NODES = 10000
N_EDGES = 160000
D_FEAT = 256
D_OUT = 256
H = 128

NC = 2
NS = 16
NBK = NC * NS
CHUNK = 128
E_CAP = 164096
NB = 320
NP = 10240
NPC = NP // NC
TRASHL = NPC
NPCA = NPC + NS * 8


def _sc_body(x2_hbm, src2_hbm, dst_hbm, nch_hbm, base_hbm, zeros_hbm,
             ones_hbm, out_hbm,
             nchv, basev, srcv, dstv, rows, acc, sem):
    c = lax.axis_index("c")
    s = lax.axis_index("s")
    bucket = c * NS + s
    pltpu.sync_copy(nch_hbm, nchv)
    pltpu.sync_copy(base_hbm, basev)
    nch = nchv[pl.ds(bucket * 8, 16)][0]
    ebase = pl.multiple_of(basev[pl.ds(bucket * 8, 16)][0], CHUNK)

    for q in range(3):
        pltpu.sync_copy(zeros_hbm, rows)
        for z in range(NB // CHUNK):
            pltpu.sync_copy(rows, acc.at[pl.ds(s * NB + z * CHUNK, CHUNK)])
        pltpu.sync_copy(rows.at[pl.ds(0, NB % CHUNK)],
                        acc.at[pl.ds(s * NB + NB - NB % CHUNK, NB % CHUNK)])

        if q == 2:
            pltpu.sync_copy(ones_hbm, rows)

        def body(j, carry):
            off = ebase + j * CHUNK
            pltpu.sync_copy(dst_hbm.at[pl.ds(off, CHUNK)], dstv)
            if q < 2:
                pltpu.sync_copy(src2_hbm.at[pl.ds(q * E_CAP + off, CHUNK)],
                                srcv)
                pltpu.async_copy(x2_hbm.at[srcv], rows, sem).wait()
            pltpu.sync_copy(rows, acc.at[dstv], add=True)
            return carry

        lax.fori_loop(0, nch, body, 0)

        pltpu.sync_copy(acc.at[pl.ds(s * NB, NB)],
                        out_hbm.at[q, pl.ds(c * NPC + s * NB, NB)])


@functools.cache
def _build_sc_scatter():
    mesh = plsc.VectorSubcoreMesh(core_axis_name="c", subcore_axis_name="s",
                                  num_cores=NC, num_subcores=NS)
    return pl.kernel(
        _sc_body,
        out_type=jax.ShapeDtypeStruct((3, NP, H), jnp.float32),
        mesh=mesh,
        scratch_types=(
            pltpu.VMEM((8 * NBK + 16,), jnp.int32),
            pltpu.VMEM((8 * NBK + 16,), jnp.int32),
            pltpu.VMEM((CHUNK,), jnp.int32),
            pltpu.VMEM((CHUNK,), jnp.int32),
            pltpu.VMEM((CHUNK, H), jnp.float32),
            pltpu.VMEM_SHARED((NPCA, H), jnp.float32),
            pltpu.SemaphoreType.DMA,
        ),
    )


def _tc_body(x_ref, ns_ref, w_ref, b_ref, o_ref):
    r = 1.0 / jnp.maximum(ns_ref[2, :, 0:1], 1.0)
    h = jnp.concatenate([ns_ref[0], ns_ref[1]], axis=1) * r
    o_ref[...] = (
        jnp.dot(x_ref[...], w_ref[0:D_FEAT], preferred_element_type=jnp.float32)
        + jnp.dot(h, w_ref[D_FEAT:], preferred_element_type=jnp.float32)
        + b_ref[...]
    )


_BLK = 1000


def kernel(x, edge_index, W, b):
    src = edge_index[0]
    dst = edge_index[1]

    owner = dst // NB
    order = jnp.argsort(owner, stable=True)
    owner_s = owner[order]
    ends = jnp.searchsorted(owner_s, jnp.arange(1, NBK + 1), side="left")
    starts = jnp.concatenate([jnp.zeros((1,), ends.dtype), ends[:-1]])
    nch = -(-(ends - starts) // CHUNK)
    padded = nch * CHUNK
    base = jnp.concatenate([jnp.zeros((1,), padded.dtype),
                            jnp.cumsum(padded)[:-1]]).astype(jnp.int32)
    slots = jnp.arange(E_CAP, dtype=jnp.int32)
    slot_bucket = jnp.searchsorted(jnp.cumsum(padded), slots,
                                   side="right").astype(jnp.int32)
    slot_bucket = jnp.clip(slot_bucket, 0, NBK - 1)
    idx_e = starts[slot_bucket].astype(jnp.int32) + (slots - base[slot_bucket])
    valid = idx_e < ends[slot_bucket].astype(jnp.int32)
    oe = order[jnp.where(valid, idx_e, 0)]
    dst_local = dst[oe] - (owner[oe] // NS) * NPC
    src_p = jnp.where(valid, src[oe] * 2, 0).astype(jnp.int32)
    dst_p = jnp.where(valid, dst_local,
                      TRASHL + 8 * (slot_bucket % NS)).astype(jnp.int32)

    src2 = jnp.concatenate([src_p, src_p + 1])

    x2 = x.reshape(2 * N_NODES, H)
    zeros = jnp.zeros((CHUNK, H), jnp.float32)
    ones = jnp.ones((CHUNK, H), jnp.float32)

    meta_idx = jnp.arange(NBK) * 8
    nch8 = jnp.zeros((8 * NBK + 16,), jnp.int32).at[meta_idx].set(
        nch.astype(jnp.int32))
    base8 = jnp.zeros((8 * NBK + 16,), jnp.int32).at[meta_idx].set(base)
    accs = _build_sc_scatter()(x2, src2, dst_p, nch8, base8, zeros, ones)

    grid = N_NODES // _BLK
    out = pl.pallas_call(
        _tc_body,
        grid=(grid,),
        in_specs=[
            pl.BlockSpec((_BLK, D_FEAT), lambda i: (i, 0)),
            pl.BlockSpec((3, _BLK, H), lambda i: (0, i, 0)),
            pl.BlockSpec((2 * D_FEAT, D_OUT), lambda i: (0, 0)),
            pl.BlockSpec((1, D_OUT), lambda i: (0, 0)),
        ],
        out_specs=pl.BlockSpec((_BLK, D_OUT), lambda i: (i, 0)),
        out_shape=jax.ShapeDtypeStruct((N_NODES, D_OUT), jnp.float32),
    )(x, accs, W, b.reshape(1, D_OUT))
    return out

# --- scband reference (transcript-rebuilt; emitter-appended) ---
"""Pipeline reference for scband-pure-sageconv-51659866636533 (READ-ONLY COPY).

The authoritative reference and input builder live on the scoring server;
editing this copy changes nothing except your own understanding.
"""

import jax, jax.numpy as jnp
import numpy as np

N_NODES = 10000
N_EDGES = 160000
D_FEAT = 256
D_OUT = 256


def setup_inputs(seed: int = 0) -> dict:
    key = jax.random.key(seed)
    k1, k2, k3, k4 = jax.random.split(key, 4)
    x = jax.random.normal(k1, (N_NODES, D_FEAT), dtype=jnp.float32)
    edge_index = jax.random.randint(k2, (2, N_EDGES), 0, N_NODES, dtype=jnp.int32)
    # nn.Linear(in_channels*2, out_channels): store W as (2*D_FEAT, D_OUT) so out = cat @ W + b
    bound = 1.0 / np.sqrt(2 * D_FEAT)
    W = jax.random.uniform(k3, (2 * D_FEAT, D_OUT), dtype=jnp.float32, minval=-bound, maxval=bound)
    b = jax.random.uniform(k4, (D_OUT,), dtype=jnp.float32, minval=-bound, maxval=bound)
    return {"x": x, "edge_index": edge_index, "W": W, "b": b}


def reference(x, edge_index, W, b):
    n_nodes = x.shape[0]
    src = edge_index[0]
    dst = edge_index[1]
    # scatter-add of gathered source features onto destination nodes
    neighbor_sum = jnp.zeros((n_nodes, x.shape[1]), dtype=x.dtype).at[dst].add(x[src])
    neighbor_count = jnp.zeros((n_nodes, 1), dtype=x.dtype).at[dst].add(jnp.ones((src.shape[0], 1), dtype=x.dtype))
    neighbor_count = jnp.clip(neighbor_count, 1.0, None)
    neighbor_mean = neighbor_sum / neighbor_count
    out = jnp.concatenate([x, neighbor_mean], axis=-1) @ W + b
    return out

if __name__ == "__main__":
    import jax
    _d = setup_inputs()
    print(jax.jit(kernel)(*tuple(_d.values())))

</pallas_src>

<mosaic_0001>
#map = affine_map<(d0, d1) -> (0, 0)>
#map1 = affine_map<(d0, d1) -> (0)>
#map2 = affine_map<(d0, d1) -> (0, 0, 0)>
module attributes {stable_mosaic.version = 14 : i64} {
  func.func @_sc_body(%arg0: i32, %arg1: i32, %arg2: memref<20000x128xf32, #tpu.memory_space<hbm>>, %arg3: memref<328192xi32, #tpu.memory_space<hbm>>, %arg4: memref<164096xi32, #tpu.memory_space<hbm>>, %arg5: memref<272xi32, #tpu.memory_space<hbm>>, %arg6: memref<272xi32, #tpu.memory_space<hbm>>, %arg7: memref<128x128xf32, #tpu.memory_space<hbm>>, %arg8: memref<128x128xf32, #tpu.memory_space<hbm>>, %arg9: memref<3x10240x128xf32, #tpu.memory_space<hbm>>, %arg10: memref<272xi32, #tpu.memory_space<vmem>>, %arg11: memref<272xi32, #tpu.memory_space<vmem>>, %arg12: memref<128xi32, #tpu.memory_space<vmem>>, %arg13: memref<128xi32, #tpu.memory_space<vmem>>, %arg14: memref<128x128xf32, #tpu.memory_space<vmem>>, %arg15: memref<5248x128xf32, #tpu.memory_space<vmem_shared>>, %arg16: memref<!tpu.dma_semaphore, #tpu.memory_space<semaphore_mem>>) attributes {dimension_semantics = [#tpu.dimension_semantics<core_parallel>, #tpu.dimension_semantics<subcore_parallel>], iteration_bounds = array<i64: 2, 16>, scalar_prefetch = 0 : i64, scratch_operands = 7 : i64, tpu.core_type = #tpu.core_type<sc_vector_subcore>, window_params = [{transform_indices = #map}, {transform_indices = #map1}, {transform_indices = #map1}, {transform_indices = #map1}, {transform_indices = #map1}, {transform_indices = #map}, {transform_indices = #map}, {transform_indices = #map2}]} {
    %mul3A = arith.constant 16 : i32
    %mul3A_0 = arith.muli %arg0, %mul3A : i32
    %add3A = arith.addi %mul3A_0, %arg1 : i32
    "tpu.region"() ({
      %run_scoped3A_105 = tpu.sem_alloc : memref<!tpu.dma_semaphore, #tpu.memory_space<semaphore_mem>>
      tpu.enqueue_dma source(%arg5 : memref<272xi32, #tpu.memory_space<hbm>>) target(%arg10 : memref<272xi32, #tpu.memory_space<vmem>>) target_semaphore(%run_scoped3A_105 : memref<!tpu.dma_semaphore, #tpu.memory_space<semaphore_mem>>)
      tpu.wait_dma2 semaphore(%run_scoped3A_105 : memref<!tpu.dma_semaphore, #tpu.memory_space<semaphore_mem>>) src(%arg5 : memref<272xi32, #tpu.memory_space<hbm>>) dst(%arg10 : memref<272xi32, #tpu.memory_space<vmem>>)
      tpu.yield
    }) : () -> ()
    "tpu.region"() ({
      %run_scoped3A_105 = tpu.sem_alloc : memref<!tpu.dma_semaphore, #tpu.memory_space<semaphore_mem>>
      tpu.enqueue_dma source(%arg6 : memref<272xi32, #tpu.memory_space<hbm>>) target(%arg11 : memref<272xi32, #tpu.memory_space<vmem>>) target_semaphore(%run_scoped3A_105 : memref<!tpu.dma_semaphore, #tpu.memory_space<semaphore_mem>>)
      tpu.wait_dma2 semaphore(%run_scoped3A_105 : memref<!tpu.dma_semaphore, #tpu.memory_space<semaphore_mem>>) src(%arg6 : memref<272xi32, #tpu.memory_space<hbm>>) dst(%arg11 : memref<272xi32, #tpu.memory_space<vmem>>)
      tpu.yield
    }) : () -> ()
    %mul3A_1 = arith.constant 8 : i32
    %mul3A_2 = arith.muli %add3A, %mul3A_1 : i32
    %get3A = arith.index_cast %mul3A_2 : i32 to index
    %get3A_3 = tpu.vector_load %arg10[%get3A] {strides = array<i32>} : memref<272xi32, #tpu.memory_space<vmem>>, vector<16xi32>,
    %get3A_4 = vector.shape_cast %get3A_3 : vector<16xi32> to vector<16xi32>
    %slice3A = vector.extract_strided_slice %get3A_4 {offsets = [0], sizes = [1], strides = [1]} : vector<16xi32> to vector<1xi32>
    %squeeze3A = vector.extract %slice3A[0] : i32 from vector<1xi32>
    %mul3A_5 = arith.constant 8 : i32
    %mul3A_6 = arith.muli %add3A, %mul3A_5 : i32
    %get3A_7 = arith.index_cast %mul3A_6 : i32 to index
    %get3A_8 = tpu.vector_load %arg11[%get3A_7] {strides = array<i32>} : memref<272xi32, #tpu.memory_space<vmem>>, vector<16xi32>,
    %get3A_9 = vector.shape_cast %get3A_8 : vector<16xi32> to vector<16xi32>
    %slice3A_10 = vector.extract_strided_slice %get3A_9 {offsets = [0], sizes = [1], strides = [1]} : vector<16xi32> to vector<1xi32>
    %squeeze3A_11 = vector.extract %slice3A_10[0] : i32 from vector<1xi32>
    %multiple_of3A = tpu.assume_multiple %squeeze3A_11, 128 : i32
    "tpu.region"() ({
      %run_scoped3A_105 = tpu.sem_alloc : memref<!tpu.dma_semaphore, #tpu.memory_space<semaphore_mem>>
      tpu.enqueue_dma source(%arg7 : memref<128x128xf32, #tpu.memory_space<hbm>>) target(%arg14 : memref<128x128xf32, #tpu.memory_space<vmem>>) target_semaphore(%run_scoped3A_105 : memref<!tpu.dma_semaphore, #tpu.memory_space<semaphore_mem>>)
      tpu.wait_dma2 semaphore(%run_scoped3A_105 : memref<!tpu.dma_semaphore, #tpu.memory_space<semaphore_mem>>) src(%arg7 : memref<128x128xf32, #tpu.memory_space<hbm>>) dst(%arg14 : memref<128x128xf32, #tpu.memory_space<vmem>>)
      tpu.yield
    }) : () -> ()
    %mul3A_12 = arith.constant 320 : i32
    %mul3A_13 = arith.muli %arg1, %mul3A_12 : i32
    %add3A_14 = arith.constant 0 : i32
    %add3A_15 = arith.addi %mul3A_13, %add3A_14 : i32
    "tpu.region"() ({
      %run_scoped3A_105 = tpu.sem_alloc : memref<!tpu.dma_semaphore, #tpu.memory_space<semaphore_mem>>
      %dma_start3A = arith.constant 0 : i32
      %dma_start3A_106 = tpu.memref_slice %arg15[%add3A_15, %dma_start3A] : memref<5248x128xf32, #tpu.memory_space<vmem_shared>> -> memref<128x128xf32, #tpu.memory_space<vmem_shared>>
      %dma_start3A_107 = arith.constant 0 : i32
      %dma_start3A_108 = tpu.memref_slice %arg15[%add3A_15, %dma_start3A_107] : memref<5248x128xf32, #tpu.memory_space<vmem_shared>> -> memref<128x128xf32, #tpu.memory_space<vmem_shared>>
      tpu.enqueue_dma source(%arg14 : memref<128x128xf32, #tpu.memory_space<vmem>>) target(%dma_start3A_108 : memref<128x128xf32, #tpu.memory_space<vmem_shared>>) target_semaphore(%run_scoped3A_105 : memref<!tpu.dma_semaphore, #tpu.memory_space<semaphore_mem>>)
      %dma_wait3A = arith.constant 0 : i32
      %dma_wait3A_109 = tpu.memref_slice %arg15[%add3A_15, %dma_wait3A] : memref<5248x128xf32, #tpu.memory_space<vmem_shared>> -> memref<128x128xf32, #tpu.memory_space<vmem_shared>>
      %dma_wait3A_110 = arith.constant 0 : i32
      %dma_wait3A_111 = tpu.memref_slice %arg15[%add3A_15, %dma_wait3A_110] : memref<5248x128xf32, #tpu.memory_space<vmem_shared>> -> memref<128x128xf32, #tpu.memory_space<vmem_shared>>
      tpu.wait_dma2 semaphore(%run_scoped3A_105 : memref<!tpu.dma_semaphore, #tpu.memory_space<semaphore_mem>>) src(%arg14 : memref<128x128xf32, #tpu.memory_space<vmem>>) dst(%dma_wait3A_111 : memref<128x128xf32, #tpu.memory_space<vmem_shared>>)
      tpu.yield
    }) : () -> ()
    %mul3A_16 = arith.constant 320 : i32
    %mul3A_17 = arith.muli %arg1, %mul3A_16 : i32
    %add3A_18 = arith.constant 128 : i32
    %add3A_19 = arith.addi %mul3A_17, %add3A_18 : i32
    "tpu.region"() ({
      %run_scoped3A_105 = tpu.sem_alloc : memref<!tpu.dma_semaphore, #tpu.memory_space<semaphore_mem>>
      %dma_start3A = arith.constant 0 : i32
      %dma_start3A_106 = tpu.memref_slice %arg15[%add3A_19, %dma_start3A] : memref<5248x128xf32, #tpu.memory_space<vmem_shared>> -> memref<128x128xf32, #tpu.memory_space<vmem_shared>>
      %dma_start3A_107 = arith.constant 0 : i32
      %dma_start3A_108 = tpu.memref_slice %arg15[%add3A_19, %dma_start3A_107] : memref<5248x128xf32, #tpu.memory_space<vmem_shared>> -> memref<128x128xf32, #tpu.memory_space<vmem_shared>>
      tpu.enqueue_dma source(%arg14 : memref<128x128xf32, #tpu.memory_space<vmem>>) target(%dma_start3A_108 : memref<128x128xf32, #tpu.memory_space<vmem_shared>>) target_semaphore(%run_scoped3A_105 : memref<!tpu.dma_semaphore, #tpu.memory_space<semaphore_mem>>)
      %dma_wait3A = arith.constant 0 : i32
      %dma_wait3A_109 = tpu.memref_slice %arg15[%add3A_19, %dma_wait3A] : memref<5248x128xf32, #tpu.memory_space<vmem_shared>> -> memref<128x128xf32, #tpu.memory_space<vmem_shared>>
      %dma_wait3A_110 = arith.constant 0 : i32
      %dma_wait3A_111 = tpu.memref_slice %arg15[%add3A_19, %dma_wait3A_110] : memref<5248x128xf32, #tpu.memory_space<vmem_shared>> -> memref<128x128xf32, #tpu.memory_space<vmem_shared>>
      tpu.wait_dma2 semaphore(%run_scoped3A_105 : memref<!tpu.dma_semaphore, #tpu.memory_space<semaphore_mem>>) src(%arg14 : memref<128x128xf32, #tpu.memory_space<vmem>>) dst(%dma_wait3A_111 : memref<128x128xf32, #tpu.memory_space<vmem_shared>>)
      tpu.yield
    }) : () -> ()
    %mul3A_20 = arith.constant 320 : i32
    %mul3A_21 = arith.muli %arg1, %mul3A_20 : i32
    %add3A_22 = arith.constant 320 : i32
    %add3A_23 = arith.addi %mul3A_21, %add3A_22 : i32
    %sub3A = arith.constant 64 : i32
    %sub3A_24 = arith.subi %add3A_23, %sub3A : i32
    "tpu.region"() ({
      %run_scoped3A_105 = tpu.sem_alloc : memref<!tpu.dma_semaphore, #tpu.memory_space<semaphore_mem>>
      %dma_start3A = arith.constant 0 : i32
      %dma_start3A_106 = arith.constant 0 : i32
      %dma_start3A_107 = tpu.memref_slice %arg14[%dma_start3A, %dma_start3A_106] : memref<128x128xf32, #tpu.memory_space<vmem>> -> memref<64x128xf32, #tpu.memory_space<vmem>>
      %dma_start3A_108 = arith.constant 0 : i32
      %dma_start3A_109 = tpu.memref_slice %arg15[%sub3A_24, %dma_start3A_108] : memref<5248x128xf32, #tpu.memory_space<vmem_shared>> -> memref<64x128xf32, #tpu.memory_space<vmem_shared>>
      %dma_start3A_110 = arith.constant 0 : i32
      %dma_start3A_111 = tpu.memref_slice %arg15[%sub3A_24, %dma_start3A_110] : memref<5248x128xf32, #tpu.memory_space<vmem_shared>> -> memref<64x128xf32, #tpu.memory_space<vmem_shared>>
      %dma_start3A_112 = arith.constant 0 : i32
      %dma_start3A_113 = arith.constant 0 : i32
      %dma_start3A_114 = tpu.memref_slice %arg14[%dma_start3A_112, %dma_start3A_113] : memref<128x128xf32, #tpu.memory_space<vmem>> -> memref<64x128xf32, #tpu.memory_space<vmem>>
      tpu.enqueue_dma source(%dma_start3A_114 : memref<64x128xf32, #tpu.memory_space<vmem>>) target(%dma_start3A_111 : memref<64x128xf32, #tpu.memory_space<vmem_shared>>) target_semaphore(%run_scoped3A_105 : memref<!tpu.dma_semaphore, #tpu.memory_space<semaphore_mem>>)
      %dma_wait3A = arith.constant 0 : i32
      %dma_wait3A_115 = arith.constant 0 : i32
      %dma_wait3A_116 = tpu.memref_slice %arg14[%dma_wait3A, %dma_wait3A_115] : memref<128x128xf32, #tpu.memory_space<vmem>> -> memref<64x128xf32, #tpu.memory_space<vmem>>
      %dma_wait3A_117 = arith.constant 0 : i32
      %dma_wait3A_118 = tpu.memref_slice %arg15[%sub3A_24, %dma_wait3A_117] : memref<5248x128xf32, #tpu.memory_space<vmem_shared>> -> memref<64x128xf32, #tpu.memory_space<vmem_shared>>
      %dma_wait3A_119 = arith.constant 0 : i32
      %dma_wait3A_120 = tpu.memref_slice %arg15[%sub3A_24, %dma_wait3A_119] : memref<5248x128xf32, #tpu.memory_space<vmem_shared>> -> memref<64x128xf32, #tpu.memory_space<vmem_shared>>
      %dma_wait3A_121 = arith.constant 0 : i32
      %dma_wait3A_122 = arith.constant 0 : i32
      %dma_wait3A_123 = tpu.memref_slice %arg14[%dma_wait3A_121, %dma_wait3A_122] : memref<128x128xf32, #tpu.memory_space<vmem>> -> memref<64x128xf32, #tpu.memory_space<vmem>>
      tpu.wait_dma2 semaphore(%run_scoped3A_105 : memref<!tpu.dma_semaphore, #tpu.memory_space<semaphore_mem>>) src(%dma_wait3A_123 : memref<64x128xf32, #tpu.memory_space<vmem>>) dst(%dma_wait3A_120 : memref<64x128xf32, #tpu.memory_space<vmem_shared>>)
      tpu.yield
    }) : () -> ()
    %while3A = arith.constant 0 : i32
    %while3A_25 = arith.constant 0 : i32
    %while3A_26 = arith.subi %squeeze3A, %while3A_25 : i32
    %while3A_27 = arith.addi %while3A_25, %while3A_26 : i32
    %while3A_28 = arith.constant 1 : i32
    %while3A_29 = arith.divsi %while3A_26, %while3A_28 : i32
    %while3A_30 = arith.muli %while3A_29, %while3A_28 : i32
    %while3A_31 = arith.addi %while3A_25, %while3A_30 : i32
    %while3A_32 = arith.constant 1 : i32
    scf.for %while3A_105 = %while3A_25 to %while3A_31 step %while3A_32  : i32 {
      %mul3A_106 = arith.constant 128 : i32
      %mul3A_107 = arith.muli %while3A_105, %mul3A_106 : i32
      %add3A_108 = arith.addi %multiple_of3A, %mul3A_107 : i32
      "tpu.region"() ({
        %run_scoped3A_115 = tpu.sem_alloc : memref<!tpu.dma_semaphore, #tpu.memory_space<semaphore_mem>>
        %dma_start3A_116 = tpu.memref_slice %arg4[%add3A_108] : memref<164096xi32, #tpu.memory_space<hbm>> -> memref<128xi32, #tpu.memory_space<hbm>>
        %dma_start3A_117 = tpu.memref_slice %arg4[%add3A_108] : memref<164096xi32, #tpu.memory_space<hbm>> -> memref<128xi32, #tpu.memory_space<hbm>>
        tpu.enqueue_dma source(%dma_start3A_117 : memref<128xi32, #tpu.memory_space<hbm>>) target(%arg13 : memref<128xi32, #tpu.memory_space<vmem>>) target_semaphore(%run_scoped3A_115 : memref<!tpu.dma_semaphore, #tpu.memory_space<semaphore_mem>>)
        %dma_wait3A_118 = tpu.memref_slice %arg4[%add3A_108] : memref<164096xi32, #tpu.memory_space<hbm>> -> memref<128xi32, #tpu.memory_space<hbm>>
        %dma_wait3A_119 = tpu.memref_slice %arg4[%add3A_108] : memref<164096xi32, #tpu.memory_space<hbm>> -> memref<128xi32, #tpu.memory_space<hbm>>
        tpu.wait_dma2 semaphore(%run_scoped3A_115 : memref<!tpu.dma_semaphore, #tpu.memory_space<semaphore_mem>>) src(%dma_wait3A_119 : memref<128xi32, #tpu.memory_space<hbm>>) dst(%arg13 : memref<128xi32, #tpu.memory_space<vmem>>)
        tpu.yield
      }) : () -> ()
      %add3A_109 = arith.constant 0 : i32
      %add3A_110 = arith.addi %add3A_109, %add3A_108 : i32
      "tpu.region"() ({
        %run_scoped3A_115 = tpu.sem_alloc : memref<!tpu.dma_semaphore, #tpu.memory_space<semaphore_mem>>
        %dma_start3A_116 = tpu.memref_slice %arg3[%add3A_110] : memref<328192xi32, #tpu.memory_space<hbm>> -> memref<128xi32, #tpu.memory_space<hbm>>
        %dma_start3A_117 = tpu.memref_slice %arg3[%add3A_110] : memref<328192xi32, #tpu.memory_space<hbm>> -> memref<128xi32, #tpu.memory_space<hbm>>
        tpu.enqueue_dma source(%dma_start3A_117 : memref<128xi32, #tpu.memory_space<hbm>>) target(%arg12 : memref<128xi32, #tpu.memory_space<vmem>>) target_semaphore(%run_scoped3A_115 : memref<!tpu.dma_semaphore, #tpu.memory_space<semaphore_mem>>)
        %dma_wait3A_118 = tpu.memref_slice %arg3[%add3A_110] : memref<328192xi32, #tpu.memory_space<hbm>> -> memref<128xi32, #tpu.memory_space<hbm>>
        %dma_wait3A_119 = tpu.memref_slice %arg3[%add3A_110] : memref<328192xi32, #tpu.memory_space<hbm>> -> memref<128xi32, #tpu.memory_space<hbm>>
        tpu.wait_dma2 semaphore(%run_scoped3A_115 : memref<!tpu.dma_semaphore, #tpu.memory_space<semaphore_mem>>) src(%dma_wait3A_119 : memref<128xi32, #tpu.memory_space<hbm>>) dst(%arg12 : memref<128xi32, #tpu.memory_space<vmem>>)
        tpu.yield
      }) : () -> ()
      %dma_start3A = arith.constant 0 : i32
      %dma_start3A_111 = arith.constant 0 : i32
      %dma_start3A_112 = tpu.memref_slice %arg2[%dma_start3A, %dma_start3A_111] : memref<20000x128xf32, #tpu.memory_space<hbm>> -> memref<20000x128xf32, #tpu.memory_space<hbm>>
      tpu.enqueue_indirect_dma source(%dma_start3A_112 : memref<20000x128xf32, #tpu.memory_space<hbm>>) target(%arg14 : memref<128x128xf32, #tpu.memory_space<vmem>>) offsets(%arg12 : memref<128xi32, #tpu.memory_space<vmem>>) semaphore(%arg16 : memref<!tpu.dma_semaphore, #tpu.memory_space<semaphore_mem>>)
      %dma_wait3A = arith.constant 0 : i32
      %dma_wait3A_113 = arith.constant 0 : i32
      %dma_wait3A_114 = tpu.memref_slice %arg2[%dma_wait3A, %dma_wait3A_113] : memref<20000x128xf32, #tpu.memory_space<hbm>> -> memref<20000x128xf32, #tpu.memory_space<hbm>>
      tpu.wait_indirect_dma semaphore(%arg16 : memref<!tpu.dma_semaphore, #tpu.memory_space<semaphore_mem>>) src(%dma_wait3A_114 : memref<20000x128xf32, #tpu.memory_space<hbm>>) dst(%arg14 : memref<128x128xf32, #tpu.memory_space<vmem>>)
      "tpu.region"() ({
        %run_scoped3A_115 = tpu.sem_alloc : memref<!tpu.dma_semaphore, #tpu.memory_space<semaphore_mem>>
        %dma_start3A_116 = arith.constant 0 : i32
        %dma_start3A_117 = arith.constant 0 : i32
        %dma_start3A_118 = tpu.memref_slice %arg15[%dma_start3A_116, %dma_start3A_117] : memref<5248x128xf32, #tpu.memory_space<vmem_shared>> -> memref<5248x128xf32, #tpu.memory_space<vmem_shared>>
        tpu.enqueue_indirect_dma source(%arg14 : memref<128x128xf32, #tpu.memory_space<vmem>>) target(%dma_start3A_118 : memref<5248x128xf32, #tpu.memory_space<vmem_shared>>) offsets(%arg13 : memref<128xi32, #tpu.memory_space<vmem>>) semaphore(%run_scoped3A_115 : memref<!tpu.dma_semaphore, #tpu.memory_space<semaphore_mem>>) {add = true}
        %dma_wait3A_119 = arith.constant 0 : i32
        %dma_wait3A_120 = arith.constant 0 : i32
        %dma_wait3A_121 = tpu.memref_slice %arg15[%dma_wait3A_119, %dma_wait3A_120] : memref<5248x128xf32, #tpu.memory_space<vmem_shared>> -> memref<5248x128xf32, #tpu.memory_space<vmem_shared>>
        tpu.wait_indirect_dma semaphore(%run_scoped3A_115 : memref<!tpu.dma_semaphore, #tpu.memory_space<semaphore_mem>>) src(%arg14 : memref<128x128xf32, #tpu.memory_space<vmem>>) dst(%dma_wait3A_121 : memref<5248x128xf32, #tpu.memory_space<vmem_shared>>)
        tpu.yield
      }) : () -> ()
    }
    %while3A_33 = arith.constant 1 : i32
    scf.for %while3A_105 = %while3A_31 to %while3A_27 step %while3A_33  : i32 {
      %mul3A_106 = arith.constant 128 : i32
      %mul3A_107 = arith.muli %while3A_105, %mul3A_106 : i32
      %add3A_108 = arith.addi %multiple_of3A, %mul3A_107 : i32
      "tpu.region"() ({
        %run_scoped3A_115 = tpu.sem_alloc : memref<!tpu.dma_semaphore, #tpu.memory_space<semaphore_mem>>
        %dma_start3A_116 = tpu.memref_slice %arg4[%add3A_108] : memref<164096xi32, #tpu.memory_space<hbm>> -> memref<128xi32, #tpu.memory_space<hbm>>
        %dma_start3A_117 = tpu.memref_slice %arg4[%add3A_108] : memref<164096xi32, #tpu.memory_space<hbm>> -> memref<128xi32, #tpu.memory_space<hbm>>
        tpu.enqueue_dma source(%dma_start3A_117 : memref<128xi32, #tpu.memory_space<hbm>>) target(%arg13 : memref<128xi32, #tpu.memory_space<vmem>>) target_semaphore(%run_scoped3A_115 : memref<!tpu.dma_semaphore, #tpu.memory_space<semaphore_mem>>)
        %dma_wait3A_118 = tpu.memref_slice %arg4[%add3A_108] : memref<164096xi32, #tpu.memory_space<hbm>> -> memref<128xi32, #tpu.memory_space<hbm>>
        %dma_wait3A_119 = tpu.memref_slice %arg4[%add3A_108] : memref<164096xi32, #tpu.memory_space<hbm>> -> memref<128xi32, #tpu.memory_space<hbm>>
        tpu.wait_dma2 semaphore(%run_scoped3A_115 : memref<!tpu.dma_semaphore, #tpu.memory_space<semaphore_mem>>) src(%dma_wait3A_119 : memref<128xi32, #tpu.memory_space<hbm>>) dst(%arg13 : memref<128xi32, #tpu.memory_space<vmem>>)
        tpu.yield
      }) : () -> ()
      %add3A_109 = arith.constant 0 : i32
      %add3A_110 = arith.addi %add3A_109, %add3A_108 : i32
      "tpu.region"() ({
        %run_scoped3A_115 = tpu.sem_alloc : memref<!tpu.dma_semaphore, #tpu.memory_space<semaphore_mem>>
        %dma_start3A_116 = tpu.memref_slice %arg3[%add3A_110] : memref<328192xi32, #tpu.memory_space<hbm>> -> memref<128xi32, #tpu.memory_space<hbm>>
        %dma_start3A_117 = tpu.memref_slice %arg3[%add3A_110] : memref<328192xi32, #tpu.memory_space<hbm>> -> memref<128xi32, #tpu.memory_space<hbm>>
        tpu.enqueue_dma source(%dma_start3A_117 : memref<128xi32, #tpu.memory_space<hbm>>) target(%arg12 : memref<128xi32, #tpu.memory_space<vmem>>) target_semaphore(%run_scoped3A_115 : memref<!tpu.dma_semaphore, #tpu.memory_space<semaphore_mem>>)
        %dma_wait3A_118 = tpu.memref_slice %arg3[%add3A_110] : memref<328192xi32, #tpu.memory_space<hbm>> -> memref<128xi32, #tpu.memory_space<hbm>>
        %dma_wait3A_119 = tpu.memref_slice %arg3[%add3A_110] : memref<328192xi32, #tpu.memory_space<hbm>> -> memref<128xi32, #tpu.memory_space<hbm>>
        tpu.wait_dma2 semaphore(%run_scoped3A_115 : memref<!tpu.dma_semaphore, #tpu.memory_space<semaphore_mem>>) src(%dma_wait3A_119 : memref<128xi32, #tpu.memory_space<hbm>>) dst(%arg12 : memref<128xi32, #tpu.memory_space<vmem>>)
        tpu.yield
      }) : () -> ()
      %dma_start3A = arith.constant 0 : i32
      %dma_start3A_111 = arith.constant 0 : i32
      %dma_start3A_112 = tpu.memref_slice %arg2[%dma_start3A, %dma_start3A_111] : memref<20000x128xf32, #tpu.memory_space<hbm>> -> memref<20000x128xf32, #tpu.memory_space<hbm>>
      tpu.enqueue_indirect_dma source(%dma_start3A_112 : memref<20000x128xf32, #tpu.memory_space<hbm>>) target(%arg14 : memref<128x128xf32, #tpu.memory_space<vmem>>) offsets(%arg12 : memref<128xi32, #tpu.memory_space<vmem>>) semaphore(%arg16 : memref<!tpu.dma_semaphore, #tpu.memory_space<semaphore_mem>>)
      %dma_wait3A = arith.constant 0 : i32
      %dma_wait3A_113 = arith.constant 0 : i32
      %dma_wait3A_114 = tpu.memref_slice %arg2[%dma_wait3A, %dma_wait3A_113] : memref<20000x128xf32, #tpu.memory_space<hbm>> -> memref<20000x128xf32, #tpu.memory_space<hbm>>
      tpu.wait_indirect_dma semaphore(%arg16 : memref<!tpu.dma_semaphore, #tpu.memory_space<semaphore_mem>>) src(%dma_wait3A_114 : memref<20000x128xf32, #tpu.memory_space<hbm>>) dst(%arg14 : memref<128x128xf32, #tpu.memory_space<vmem>>)
      "tpu.region"() ({
        %run_scoped3A_115 = tpu.sem_alloc : memref<!tpu.dma_semaphore, #tpu.memory_space<semaphore_mem>>
        %dma_start3A_116 = arith.constant 0 : i32
        %dma_start3A_117 = arith.constant 0 : i32
        %dma_start3A_118 = tpu.memref_slice %arg15[%dma_start3A_116, %dma_start3A_117] : memref<5248x128xf32, #tpu.memory_space<vmem_shared>> -> memref<5248x128xf32, #tpu.memory_space<vmem_shared>>
        tpu.enqueue_indirect_dma source(%arg14 : memref<128x128xf32, #tpu.memory_space<vmem>>) target(%dma_start3A_118 : memref<5248x128xf32, #tpu.memory_space<vmem_shared>>) offsets(%arg13 : memref<128xi32, #tpu.memory_space<vmem>>) semaphore(%run_scoped3A_115 : memref<!tpu.dma_semaphore, #tpu.memory_space<semaphore_mem>>) {add = true}
        %dma_wait3A_119 = arith.constant 0 : i32
        %dma_wait3A_120 = arith.constant 0 : i32
        %dma_wait3A_121 = tpu.memref_slice %arg15[%dma_wait3A_119, %dma_wait3A_120] : memref<5248x128xf32, #tpu.memory_space<vmem_shared>> -> memref<5248x128xf32, #tpu.memory_space<vmem_shared>>
        tpu.wait_indirect_dma semaphore(%run_scoped3A_115 : memref<!tpu.dma_semaphore, #tpu.memory_space<semaphore_mem>>) src(%arg14 : memref<128x128xf32, #tpu.memory_space<vmem>>) dst(%dma_wait3A_121 : memref<5248x128xf32, #tpu.memory_space<vmem_shared>>)
        tpu.yield
      }) : () -> ()
    }
    %mul3A_34 = arith.constant 320 : i32
    %mul3A_35 = arith.muli %arg1, %mul3A_34 : i32
    %mul3A_36 = arith.constant 5120 : i32
    %mul3A_37 = arith.muli %arg0, %mul3A_36 : i32
    %mul3A_38 = arith.constant 320 : i32
    %mul3A_39 = arith.muli %arg1, %mul3A_38 : i32
    %add3A_40 = arith.addi %mul3A_37, %mul3A_39 : i32
    %run_scoped3A = arith.constant 0 : i32
    "tpu.region"() ({
      %run_scoped3A_105 = tpu.sem_alloc : memref<!tpu.dma_semaphore, #tpu.memory_space<semaphore_mem>>
      %dma_start3A = arith.constant 0 : i32
      %dma_start3A_106 = tpu.memref_slice %arg9[%run_scoped3A, %add3A_40, %dma_start3A] : memref<3x10240x128xf32, #tpu.memory_space<hbm>> -> memref<1x320x128xf32, #tpu.memory_space<hbm>>
      %dma_start3A_107 = tpu.memref_squeeze %dma_start3A_106 : memref<1x320x128xf32, #tpu.memory_space<hbm>> -> memref<320x128xf32, #tpu.memory_space<hbm>>
      %dma_start3A_108 = arith.constant 0 : i32
      %dma_start3A_109 = tpu.memref_slice %arg15[%mul3A_35, %dma_start3A_108] : memref<5248x128xf32, #tpu.memory_space<vmem_shared>> -> memref<320x128xf32, #tpu.memory_space<vmem_shared>>
      tpu.enqueue_dma source(%dma_start3A_109 : memref<320x128xf32, #tpu.memory_space<vmem_shared>>) target(%dma_start3A_107 : memref<320x128xf32, #tpu.memory_space<hbm>>) target_semaphore(%run_scoped3A_105 : memref<!tpu.dma_semaphore, #tpu.memory_space<semaphore_mem>>)
      %dma_wait3A = arith.constant 0 : i32
      %dma_wait3A_110 = tpu.memref_slice %arg9[%run_scoped3A, %add3A_40, %dma_wait3A] : memref<3x10240x128xf32, #tpu.memory_space<hbm>> -> memref<1x320x128xf32, #tpu.memory_space<hbm>>
      %dma_wait3A_111 = tpu.memref_squeeze %dma_wait3A_110 : memref<1x320x128xf32, #tpu.memory_space<hbm>> -> memref<320x128xf32, #tpu.memory_space<hbm>>
      %dma_wait3A_112 = arith.constant 0 : i32
      %dma_wait3A_113 = tpu.memref_slice %arg15[%mul3A_35, %dma_wait3A_112] : memref<5248x128xf32, #tpu.memory_space<vmem_shared>> -> memref<320x128xf32, #tpu.memory_space<vmem_shared>>
      tpu.wait_dma2 semaphore(%run_scoped3A_105 : memref<!tpu.dma_semaphore, #tpu.memory_space<semaphore_mem>>) src(%dma_wait3A_113 : memref<320x128xf32, #tpu.memory_space<vmem_shared>>) dst(%dma_wait3A_111 : memref<320x128xf32, #tpu.memory_space<hbm>>)
      tpu.yield
    }) : () -> ()
    "tpu.region"() ({
      %run_scoped3A_105 = tpu.sem_alloc : memref<!tpu.dma_semaphore, #tpu.memory_space<semaphore_mem>>
      tpu.enqueue_dma source(%arg7 : memref<128x128xf32, #tpu.memory_space<hbm>>) target(%arg14 : memref<128x128xf32, #tpu.memory_space<vmem>>) target_semaphore(%run_scoped3A_105 : memref<!tpu.dma_semaphore, #tpu.memory_space<semaphore_mem>>)
      tpu.wait_dma2 semaphore(%run_scoped3A_105 : memref<!tpu.dma_semaphore, #tpu.memory_space<semaphore_mem>>) src(%arg7 : memref<128x128xf32, #tpu.memory_space<hbm>>) dst(%arg14 : memref<128x128xf32, #tpu.memory_space<vmem>>)
      tpu.yield
    }) : () -> ()
    %mul3A_41 = arith.constant 320 : i32
    %mul3A_42 = arith.muli %arg1, %mul3A_41 : i32
    %add3A_43 = arith.constant 0 : i32
    %add3A_44 = arith.addi %mul3A_42, %add3A_43 : i32
    "tpu.region"() ({
      %run_scoped3A_105 = tpu.sem_alloc : memref<!tpu.dma_semaphore, #tpu.memory_space<semaphore_mem>>
      %dma_start3A = arith.constant 0 : i32
      %dma_start3A_106 = tpu.memref_slice %arg15[%add3A_44, %dma_start3A] : memref<5248x128xf32, #tpu.memory_space<vmem_shared>> -> memref<128x128xf32, #tpu.memory_space<vmem_shared>>
      %dma_start3A_107 = arith.constant 0 : i32
      %dma_start3A_108 = tpu.memref_slice %arg15[%add3A_44, %dma_start3A_107] : memref<5248x128xf32, #tpu.memory_space<vmem_shared>> -> memref<128x128xf32, #tpu.memory_space<vmem_shared>>
      tpu.enqueue_dma source(%arg14 : memref<128x128xf32, #tpu.memory_space<vmem>>) target(%dma_start3A_108 : memref<128x128xf32, #tpu.memory_space<vmem_shared>>) target_semaphore(%run_scoped3A_105 : memref<!tpu.dma_semaphore, #tpu.memory_space<semaphore_mem>>)
      %dma_wait3A = arith.constant 0 : i32
      %dma_wait3A_109 = tpu.memref_slice %arg15[%add3A_44, %dma_wait3A] : memref<5248x128xf32, #tpu.memory_space<vmem_shared>> -> memref<128x128xf32, #tpu.memory_space<vmem_shared>>
      %dma_wait3A_110 = arith.constant 0 : i32
      %dma_wait3A_111 = tpu.memref_slice %arg15[%add3A_44, %dma_wait3A_110] : memref<5248x128xf32, #tpu.memory_space<vmem_shared>> -> memref<128x128xf32, #tpu.memory_space<vmem_shared>>
      tpu.wait_dma2 semaphore(%run_scoped3A_105 : memref<!tpu.dma_semaphore, #tpu.memory_space<semaphore_mem>>) src(%arg14 : memref<128x128xf32, #tpu.memory_space<vmem>>) dst(%dma_wait3A_111 : memref<128x128xf32, #tpu.memory_space<vmem_shared>>)
      tpu.yield
    }) : () -> ()
    %mul3A_45 = arith.constant 320 : i32
    %mul3A_46 = arith.muli %arg1, %mul3A_45 : i32
    %add3A_47 = arith.constant 128 : i32
    %add3A_48 = arith.addi %mul3A_46, %add3A_47 : i32
    "tpu.region"() ({
      %run_scoped3A_105 = tpu.sem_alloc : memref<!tpu.dma_semaphore, #tpu.memory_space<semaphore_mem>>
      %dma_start3A = arith.constant 0 : i32
      %dma_start3A_106 = tpu.memref_slice %arg15[%add3A_48, %dma_start3A] : memref<5248x128xf32, #tpu.memory_space<vmem_shared>> -> memref<128x128xf32, #tpu.memory_space<vmem_shared>>
      %dma_start3A_107 = arith.constant 0 : i32
      %dma_start3A_108 = tpu.memref_slice %arg15[%add3A_48, %dma_start3A_107] : memref<5248x128xf32, #tpu.memory_space<vmem_shared>> -> memref<128x128xf32, #tpu.memory_space<vmem_shared>>
      tpu.enqueue_dma source(%arg14 : memref<128x128xf32, #tpu.memory_space<vmem>>) target(%dma_start3A_108 : memref<128x128xf32, #tpu.memory_space<vmem_shared>>) target_semaphore(%run_scoped3A_105 : memref<!tpu.dma_semaphore, #tpu.memory_space<semaphore_mem>>)
      %dma_wait3A = arith.constant 0 : i32
      %dma_wait3A_109 = tpu.memref_slice %arg15[%add3A_48, %dma_wait3A] : memref<5248x128xf32, #tpu.memory_space<vmem_shared>> -> memref<128x128xf32, #tpu.memory_space<vmem_shared>>
      %dma_wait3A_110 = arith.constant 0 : i32
      %dma_wait3A_111 = tpu.memref_slice %arg15[%add3A_48, %dma_wait3A_110] : memref<5248x128xf32, #tpu.memory_space<vmem_shared>> -> memref<128x128xf32, #tpu.memory_space<vmem_shared>>
      tpu.wait_dma2 semaphore(%run_scoped3A_105 : memref<!tpu.dma_semaphore, #tpu.memory_space<semaphore_mem>>) src(%arg14 : memref<128x128xf32, #tpu.memory_space<vmem>>) dst(%dma_wait3A_111 : memref<128x128xf32, #tpu.memory_space<vmem_shared>>)
      tpu.yield
    }) : () -> ()
    %mul3A_49 = arith.constant 320 : i32
    %mul3A_50 = arith.muli %arg1, %mul3A_49 : i32
    %add3A_51 = arith.constant 320 : i32
    %add3A_52 = arith.addi %mul3A_50, %add3A_51 : i32
    %sub3A_53 = arith.constant 64 : i32
    %sub3A_54 = arith.subi %add3A_52, %sub3A_53 : i32
    "tpu.region"() ({
      %run_scoped3A_105 = tpu.sem_alloc : memref<!tpu.dma_semaphore, #tpu.memory_space<semaphore_mem>>
      %dma_start3A = arith.constant 0 : i32
      %dma_start3A_106 = arith.constant 0 : i32
      %dma_start3A_107 = tpu.memref_slice %arg14[%dma_start3A, %dma_start3A_106] : memref<128x128xf32, #tpu.memory_space<vmem>> -> memref<64x128xf32, #tpu.memory_space<vmem>>
      %dma_start3A_108 = arith.constant 0 : i32
      %dma_start3A_109 = tpu.memref_slice %arg15[%sub3A_54, %dma_start3A_108] : memref<5248x128xf32, #tpu.memory_space<vmem_shared>> -> memref<64x128xf32, #tpu.memory_space<vmem_shared>>
      %dma_start3A_110 = arith.constant 0 : i32
      %dma_start3A_111 = tpu.memref_slice %arg15[%sub3A_54, %dma_start3A_110] : memref<5248x128xf32, #tpu.memory_space<vmem_shared>> -> memref<64x128xf32, #tpu.memory_space<vmem_shared>>
      %dma_start3A_112 = arith.constant 0 : i32
      %dma_start3A_113 = arith.constant 0 : i32
      %dma_start3A_114 = tpu.memref_slice %arg14[%dma_start3A_112, %dma_start3A_113] : memref<128x128xf32, #tpu.memory_space<vmem>> -> memref<64x128xf32, #tpu.memory_space<vmem>>
      tpu.enqueue_dma source(%dma_start3A_114 : memref<64x128xf32, #tpu.memory_space<vmem>>) target(%dma_start3A_111 : memref<64x128xf32, #tpu.memory_space<vmem_shared>>) target_semaphore(%run_scoped3A_105 : memref<!tpu.dma_semaphore, #tpu.memory_space<semaphore_mem>>)
      %dma_wait3A = arith.constant 0 : i32
      %dma_wait3A_115 = arith.constant 0 : i32
      %dma_wait3A_116 = tpu.memref_slice %arg14[%dma_wait3A, %dma_wait3A_115] : memref<128x128xf32, #tpu.memory_space<vmem>> -> memref<64x128xf32, #tpu.memory_space<vmem>>
      %dma_wait3A_117 = arith.constant 0 : i32
      %dma_wait3A_118 = tpu.memref_slice %arg15[%sub3A_54, %dma_wait3A_117] : memref<5248x128xf32, #tpu.memory_space<vmem_shared>> -> memref<64x128xf32, #tpu.memory_space<vmem_shared>>
      %dma_wait3A_119 = arith.constant 0 : i32
      %dma_wait3A_120 = tpu.memref_slice %arg15[%sub3A_54, %dma_wait3A_119] : memref<5248x128xf32, #tpu.memory_space<vmem_shared>> -> memref<64x128xf32, #tpu.memory_space<vmem_shared>>
      %dma_wait3A_121 = arith.constant 0 : i32
      %dma_wait3A_122 = arith.constant 0 : i32
      %dma_wait3A_123 = tpu.memref_slice %arg14[%dma_wait3A_121, %dma_wait3A_122] : memref<128x128xf32, #tpu.memory_space<vmem>> -> memref<64x128xf32, #tpu.memory_space<vmem>>
      tpu.wait_dma2 semaphore(%run_scoped3A_105 : memref<!tpu.dma_semaphore, #tpu.memory_space<semaphore_mem>>) src(%dma_wait3A_123 : memref<64x128xf32, #tpu.memory_space<vmem>>) dst(%dma_wait3A_120 : memref<64x128xf32, #tpu.memory_space<vmem_shared>>)
      tpu.yield
    }) : () -> ()
    %while3A_55 = arith.constant 0 : i32
    %while3A_56 = arith.constant 0 : i32
    %while3A_57 = arith.subi %squeeze3A, %while3A_56 : i32
    %while3A_58 = arith.addi %while3A_56, %while3A_57 : i32
    %while3A_59 = arith.constant 1 : i32
    %while3A_60 = arith.divsi %while3A_57, %while3A_59 : i32
    %while3A_61 = arith.muli %while3A_60, %while3A_59 : i32
    %while3A_62 = arith.addi %while3A_56, %while3A_61 : i32
    %while3A_63 = arith.constant 1 : i32
    scf.for %while3A_105 = %while3A_56 to %while3A_62 step %while3A_63  : i32 {
      %mul3A_106 = arith.constant 128 : i32
      %mul3A_107 = arith.muli %while3A_105, %mul3A_106 : i32
      %add3A_108 = arith.addi %multiple_of3A, %mul3A_107 : i32
      "tpu.region"() ({
        %run_scoped3A_115 = tpu.sem_alloc : memref<!tpu.dma_semaphore, #tpu.memory_space<semaphore_mem>>
        %dma_start3A_116 = tpu.memref_slice %arg4[%add3A_108] : memref<164096xi32, #tpu.memory_space<hbm>> -> memref<128xi32, #tpu.memory_space<hbm>>
        %dma_start3A_117 = tpu.memref_slice %arg4[%add3A_108] : memref<164096xi32, #tpu.memory_space<hbm>> -> memref<128xi32, #tpu.memory_space<hbm>>
        tpu.enqueue_dma source(%dma_start3A_117 : memref<128xi32, #tpu.memory_space<hbm>>) target(%arg13 : memref<128xi32, #tpu.memory_space<vmem>>) target_semaphore(%run_scoped3A_115 : memref<!tpu.dma_semaphore, #tpu.memory_space<semaphore_mem>>)
        %dma_wait3A_118 = tpu.memref_slice %arg4[%add3A_108] : memref<164096xi32, #tpu.memory_space<hbm>> -> memref<128xi32, #tpu.memory_space<hbm>>
        %dma_wait3A_119 = tpu.memref_slice %arg4[%add3A_108] : memref<164096xi32, #tpu.memory_space<hbm>> -> memref<128xi32, #tpu.memory_space<hbm>>
        tpu.wait_dma2 semaphore(%run_scoped3A_115 : memref<!tpu.dma_semaphore, #tpu.memory_space<semaphore_mem>>) src(%dma_wait3A_119 : memref<128xi32, #tpu.memory_space<hbm>>) dst(%arg13 : memref<128xi32, #tpu.memory_space<vmem>>)
        tpu.yield
      }) : () -> ()
      %add3A_109 = arith.constant 164096 : i32
      %add3A_110 = arith.addi %add3A_109, %add3A_108 : i32
      "tpu.region"() ({
        %run_scoped3A_115 = tpu.sem_alloc : memref<!tpu.dma_semaphore, #tpu.memory_space<semaphore_mem>>
        %dma_start3A_116 = tpu.memref_slice %arg3[%add3A_110] : memref<328192xi32, #tpu.memory_space<hbm>> -> memref<128xi32, #tpu.memory_space<hbm>>
        %dma_start3A_117 = tpu.memref_slice %arg3[%add3A_110] : memref<328192xi32, #tpu.memory_space<hbm>> -> memref<128xi32, #tpu.memory_space<hbm>>
        tpu.enqueue_dma source(%dma_start3A_117 : memref<128xi32, #tpu.memory_space<hbm>>) target(%arg12 : memref<128xi32, #tpu.memory_space<vmem>>) target_semaphore(%run_scoped3A_115 : memref<!tpu.dma_semaphore, #tpu.memory_space<semaphore_mem>>)
        %dma_wait3A_118 = tpu.memref_slice %arg3[%add3A_110] : memref<328192xi32, #tpu.memory_space<hbm>> -> memref<128xi32, #tpu.memory_space<hbm>>
        %dma_wait3A_119 = tpu.memref_slice %arg3[%add3A_110] : memref<328192xi32, #tpu.memory_space<hbm>> -> memref<128xi32, #tpu.memory_space<hbm>>
        tpu.wait_dma2 semaphore(%run_scoped3A_115 : memref<!tpu.dma_semaphore, #tpu.memory_space<semaphore_mem>>) src(%dma_wait3A_119 : memref<128xi32, #tpu.memory_space<hbm>>) dst(%arg12 : memref<128xi32, #tpu.memory_space<vmem>>)
        tpu.yield
      }) : () -> ()
      %dma_start3A = arith.constant 0 : i32
      %dma_start3A_111 = arith.constant 0 : i32
      %dma_start3A_112 = tpu.memref_slice %arg2[%dma_start3A, %dma_start3A_111] : memref<20000x128xf32, #tpu.memory_space<hbm>> -> memref<20000x128xf32, #tpu.memory_space<hbm>>
      tpu.enqueue_indirect_dma source(%dma_start3A_112 : memref<20000x128xf32, #tpu.memory_space<hbm>>) target(%arg14 : memref<128x128xf32, #tpu.memory_space<vmem>>) offsets(%arg12 : memref<128xi32, #tpu.memory_space<vmem>>) semaphore(%arg16 : memref<!tpu.dma_semaphore, #tpu.memory_space<semaphore_mem>>)
      %dma_wait3A = arith.constant 0 : i32
      %dma_wait3A_113 = arith.constant 0 : i32
      %dma_wait3A_114 = tpu.memref_slice %arg2[%dma_wait3A, %dma_wait3A_113] : memref<20000x128xf32, #tpu.memory_space<hbm>> -> memref<20000x128xf32, #tpu.memory_space<hbm>>
      tpu.wait_indirect_dma semaphore(%arg16 : memref<!tpu.dma_semaphore, #tpu.memory_space<semaphore_mem>>) src(%dma_wait3A_114 : memref<20000x128xf32, #tpu.memory_space<hbm>>) dst(%arg14 : memref<128x128xf32, #tpu.memory_space<vmem>>)
      "tpu.region"() ({
        %run_scoped3A_115 = tpu.sem_alloc : memref<!tpu.dma_semaphore, #tpu.memory_space<semaphore_mem>>
        %dma_start3A_116 = arith.constant 0 : i32
        %dma_start3A_117 = arith.constant 0 : i32
        %dma_start3A_118 = tpu.memref_slice %arg15[%dma_start3A_116, %dma_start3A_117] : memref<5248x128xf32, #tpu.memory_space<vmem_shared>> -> memref<5248x128xf32, #tpu.memory_space<vmem_shared>>
        tpu.enqueue_indirect_dma source(%arg14 : memref<128x128xf32, #tpu.memory_space<vmem>>) target(%dma_start3A_118 : memref<5248x128xf32, #tpu.memory_space<vmem_shared>>) offsets(%arg13 : memref<128xi32, #tpu.memory_space<vmem>>) semaphore(%run_scoped3A_115 : memref<!tpu.dma_semaphore, #tpu.memory_space<semaphore_mem>>) {add = true}
        %dma_wait3A_119 = arith.constant 0 : i32
        %dma_wait3A_120 = arith.constant 0 : i32
        %dma_wait3A_121 = tpu.memref_slice %arg15[%dma_wait3A_119, %dma_wait3A_120] : memref<5248x128xf32, #tpu.memory_space<vmem_shared>> -> memref<5248x128xf32, #tpu.memory_space<vmem_shared>>
        tpu.wait_indirect_dma semaphore(%run_scoped3A_115 : memref<!tpu.dma_semaphore, #tpu.memory_space<semaphore_mem>>) src(%arg14 : memref<128x128xf32, #tpu.memory_space<vmem>>) dst(%dma_wait3A_121 : memref<5248x128xf32, #tpu.memory_space<vmem_shared>>)
        tpu.yield
      }) : () -> ()
    }
    %while3A_64 = arith.constant 1 : i32
    scf.for %while3A_105 = %while3A_62 to %while3A_58 step %while3A_64  : i32 {
      %mul3A_106 = arith.constant 128 : i32
      %mul3A_107 = arith.muli %while3A_105, %mul3A_106 : i32
      %add3A_108 = arith.addi %multiple_of3A, %mul3A_107 : i32
      "tpu.region"() ({
        %run_scoped3A_115 = tpu.sem_alloc : memref<!tpu.dma_semaphore, #tpu.memory_space<semaphore_mem>>
        %dma_start3A_116 = tpu.memref_slice %arg4[%add3A_108] : memref<164096xi32, #tpu.memory_space<hbm>> -> memref<128xi32, #tpu.memory_space<hbm>>
        %dma_start3A_117 = tpu.memref_slice %arg4[%add3A_108] : memref<164096xi32, #tpu.memory_space<hbm>> -> memref<128xi32, #tpu.memory_space<hbm>>
        tpu.enqueue_dma source(%dma_start3A_117 : memref<128xi32, #tpu.memory_space<hbm>>) target(%arg13 : memref<128xi32, #tpu.memory_space<vmem>>) target_semaphore(%run_scoped3A_115 : memref<!tpu.dma_semaphore, #tpu.memory_space<semaphore_mem>>)
        %dma_wait3A_118 = tpu.memref_slice %arg4[%add3A_108] : memref<164096xi32, #tpu.memory_space<hbm>> -> memref<128xi32, #tpu.memory_space<hbm>>
        %dma_wait3A_119 = tpu.memref_slice %arg4[%add3A_108] : memref<164096xi32, #tpu.memory_space<hbm>> -> memref<128xi32, #tpu.memory_space<hbm>>
        tpu.wait_dma2 semaphore(%run_scoped3A_115 : memref<!tpu.dma_semaphore, #tpu.memory_space<semaphore_mem>>) src(%dma_wait3A_119 : memref<128xi32, #tpu.memory_space<hbm>>) dst(%arg13 : memref<128xi32, #tpu.memory_space<vmem>>)
        tpu.yield
      }) : () -> ()
      %add3A_109 = arith.constant 164096 : i32
      %add3A_110 = arith.addi %add3A_109, %add3A_108 : i32
      "tpu.region"() ({
        %run_scoped3A_115 = tpu.sem_alloc : memref<!tpu.dma_semaphore, #tpu.memory_space<semaphore_mem>>
        %dma_start3A_116 = tpu.memref_slice %arg3[%add3A_110] : memref<328192xi32, #tpu.memory_space<hbm>> -> memref<128xi32, #tpu.memory_space<hbm>>
        %dma_start3A_117 = tpu.memref_slice %arg3[%add3A_110] : memref<328192xi32, #tpu.memory_space<hbm>> -> memref<128xi32, #tpu.memory_space<hbm>>
        tpu.enqueue_dma source(%dma_start3A_117 : memref<128xi32, #tpu.memory_space<hbm>>) target(%arg12 : memref<128xi32, #tpu.memory_space<vmem>>) target_semaphore(%run_scoped3A_115 : memref<!tpu.dma_semaphore, #tpu.memory_space<semaphore_mem>>)
        %dma_wait3A_118 = tpu.memref_slice %arg3[%add3A_110] : memref<328192xi32, #tpu.memory_space<hbm>> -> memref<128xi32, #tpu.memory_space<hbm>>
        %dma_wait3A_119 = tpu.memref_slice %arg3[%add3A_110] : memref<328192xi32, #tpu.memory_space<hbm>> -> memref<128xi32, #tpu.memory_space<hbm>>
        tpu.wait_dma2 semaphore(%run_scoped3A_115 : memref<!tpu.dma_semaphore, #tpu.memory_space<semaphore_mem>>) src(%dma_wait3A_119 : memref<128xi32, #tpu.memory_space<hbm>>) dst(%arg12 : memref<128xi32, #tpu.memory_space<vmem>>)
        tpu.yield
      }) : () -> ()
      %dma_start3A = arith.constant 0 : i32
      %dma_start3A_111 = arith.constant 0 : i32
      %dma_start3A_112 = tpu.memref_slice %arg2[%dma_start3A, %dma_start3A_111] : memref<20000x128xf32, #tpu.memory_space<hbm>> -> memref<20000x128xf32, #tpu.memory_space<hbm>>
      tpu.enqueue_indirect_dma source(%dma_start3A_112 : memref<20000x128xf32, #tpu.memory_space<hbm>>) target(%arg14 : memref<128x128xf32, #tpu.memory_space<vmem>>) offsets(%arg12 : memref<128xi32, #tpu.memory_space<vmem>>) semaphore(%arg16 : memref<!tpu.dma_semaphore, #tpu.memory_space<semaphore_mem>>)
      %dma_wait3A = arith.constant 0 : i32
      %dma_wait3A_113 = arith.constant 0 : i32
      %dma_wait3A_114 = tpu.memref_slice %arg2[%dma_wait3A, %dma_wait3A_113] : memref<20000x128xf32, #tpu.memory_space<hbm>> -> memref<20000x128xf32, #tpu.memory_space<hbm>>
      tpu.wait_indirect_dma semaphore(%arg16 : memref<!tpu.dma_semaphore, #tpu.memory_space<semaphore_mem>>) src(%dma_wait3A_114 : memref<20000x128xf32, #tpu.memory_space<hbm>>) dst(%arg14 : memref<128x128xf32, #tpu.memory_space<vmem>>)
      "tpu.region"() ({
        %run_scoped3A_115 = tpu.sem_alloc : memref<!tpu.dma_semaphore, #tpu.memory_space<semaphore_mem>>
        %dma_start3A_116 = arith.constant 0 : i32
        %dma_start3A_117 = arith.constant 0 : i32
        %dma_start3A_118 = tpu.memref_slice %arg15[%dma_start3A_116, %dma_start3A_117] : memref<5248x128xf32, #tpu.memory_space<vmem_shared>> -> memref<5248x128xf32, #tpu.memory_space<vmem_shared>>
        tpu.enqueue_indirect_dma source(%arg14 : memref<128x128xf32, #tpu.memory_space<vmem>>) target(%dma_start3A_118 : memref<5248x128xf32, #tpu.memory_space<vmem_shared>>) offsets(%arg13 : memref<128xi32, #tpu.memory_space<vmem>>) semaphore(%run_scoped3A_115 : memref<!tpu.dma_semaphore, #tpu.memory_space<semaphore_mem>>) {add = true}
        %dma_wait3A_119 = arith.constant 0 : i32
        %dma_wait3A_120 = arith.constant 0 : i32
        %dma_wait3A_121 = tpu.memref_slice %arg15[%dma_wait3A_119, %dma_wait3A_120] : memref<5248x128xf32, #tpu.memory_space<vmem_shared>> -> memref<5248x128xf32, #tpu.memory_space<vmem_shared>>
        tpu.wait_indirect_dma semaphore(%run_scoped3A_115 : memref<!tpu.dma_semaphore, #tpu.memory_space<semaphore_mem>>) src(%arg14 : memref<128x128xf32, #tpu.memory_space<vmem>>) dst(%dma_wait3A_121 : memref<5248x128xf32, #tpu.memory_space<vmem_shared>>)
        tpu.yield
      }) : () -> ()
    }
    %mul3A_65 = arith.constant 320 : i32
    %mul3A_66 = arith.muli %arg1, %mul3A_65 : i32
    %mul3A_67 = arith.constant 5120 : i32
    %mul3A_68 = arith.muli %arg0, %mul3A_67 : i32
    %mul3A_69 = arith.constant 320 : i32
    %mul3A_70 = arith.muli %arg1, %mul3A_69 : i32
    %add3A_71 = arith.addi %mul3A_68, %mul3A_70 : i32
    %run_scoped3A_72 = arith.constant 1 : i32
    "tpu.region"() ({
      %run_scoped3A_105 = tpu.sem_alloc : memref<!tpu.dma_semaphore, #tpu.memory_space<semaphore_mem>>
      %dma_start3A = arith.constant 0 : i32
      %dma_start3A_106 = tpu.memref_slice %arg9[%run_scoped3A_72, %add3A_71, %dma_start3A] : memref<3x10240x128xf32, #tpu.memory_space<hbm>> -> memref<1x320x128xf32, #tpu.memory_space<hbm>>
      %dma_start3A_107 = tpu.memref_squeeze %dma_start3A_106 : memref<1x320x128xf32, #tpu.memory_space<hbm>> -> memref<320x128xf32, #tpu.memory_space<hbm>>
      %dma_start3A_108 = arith.constant 0 : i32
      %dma_start3A_109 = tpu.memref_slice %arg15[%mul3A_66, %dma_start3A_108] : memref<5248x128xf32, #tpu.memory_space<vmem_shared>> -> memref<320x128xf32, #tpu.memory_space<vmem_shared>>
      tpu.enqueue_dma source(%dma_start3A_109 : memref<320x128xf32, #tpu.memory_space<vmem_shared>>) target(%dma_start3A_107 : memref<320x128xf32, #tpu.memory_space<hbm>>) target_semaphore(%run_scoped3A_105 : memref<!tpu.dma_semaphore, #tpu.memory_space<semaphore_mem>>)
      %dma_wait3A = arith.constant 0 : i32
      %dma_wait3A_110 = tpu.memref_slice %arg9[%run_scoped3A_72, %add3A_71, %dma_wait3A] : memref<3x10240x128xf32, #tpu.memory_space<hbm>> -> memref<1x320x128xf32, #tpu.memory_space<hbm>>
      %dma_wait3A_111 = tpu.memref_squeeze %dma_wait3A_110 : memref<1x320x128xf32, #tpu.memory_space<hbm>> -> memref<320x128xf32, #tpu.memory_space<hbm>>
      %dma_wait3A_112 = arith.constant 0 : i32
      %dma_wait3A_113 = tpu.memref_slice %arg15[%mul3A_66, %dma_wait3A_112] : memref<5248x128xf32, #tpu.memory_space<vmem_shared>> -> memref<320x128xf32, #tpu.memory_space<vmem_shared>>
      tpu.wait_dma2 semaphore(%run_scoped3A_105 : memref<!tpu.dma_semaphore, #tpu.memory_space<semaphore_mem>>) src(%dma_wait3A_113 : memref<320x128xf32, #tpu.memory_space<vmem_shared>>) dst(%dma_wait3A_111 : memref<320x128xf32, #tpu.memory_space<hbm>>)
      tpu.yield
    }) : () -> ()
    "tpu.region"() ({
      %run_scoped3A_105 = tpu.sem_alloc : memref<!tpu.dma_semaphore, #tpu.memory_space<semaphore_mem>>
      tpu.enqueue_dma source(%arg7 : memref<128x128xf32, #tpu.memory_space<hbm>>) target(%arg14 : memref<128x128xf32, #tpu.memory_space<vmem>>) target_semaphore(%run_scoped3A_105 : memref<!tpu.dma_semaphore, #tpu.memory_space<semaphore_mem>>)
      tpu.wait_dma2 semaphore(%run_scoped3A_105 : memref<!tpu.dma_semaphore, #tpu.memory_space<semaphore_mem>>) src(%arg7 : memref<128x128xf32, #tpu.memory_space<hbm>>) dst(%arg14 : memref<128x128xf32, #tpu.memory_space<vmem>>)
      tpu.yield
    }) : () -> ()
    %mul3A_73 = arith.constant 320 : i32
    %mul3A_74 = arith.muli %arg1, %mul3A_73 : i32
    %add3A_75 = arith.constant 0 : i32
    %add3A_76 = arith.addi %mul3A_74, %add3A_75 : i32
    "tpu.region"() ({
      %run_scoped3A_105 = tpu.sem_alloc : memref<!tpu.dma_semaphore, #tpu.memory_space<semaphore_mem>>
      %dma_start3A = arith.constant 0 : i32
      %dma_start3A_106 = tpu.memref_slice %arg15[%add3A_76, %dma_start3A] : memref<5248x128xf32, #tpu.memory_space<vmem_shared>> -> memref<128x128xf32, #tpu.memory_space<vmem_shared>>
      %dma_start3A_107 = arith.constant 0 : i32
      %dma_start3A_108 = tpu.memref_slice %arg15[%add3A_76, %dma_start3A_107] : memref<5248x128xf32, #tpu.memory_space<vmem_shared>> -> memref<128x128xf32, #tpu.memory_space<vmem_shared>>
      tpu.enqueue_dma source(%arg14 : memref<128x128xf32, #tpu.memory_space<vmem>>) target(%dma_start3A_108 : memref<128x128xf32, #tpu.memory_space<vmem_shared>>) target_semaphore(%run_scoped3A_105 : memref<!tpu.dma_semaphore, #tpu.memory_space<semaphore_mem>>)
      %dma_wait3A = arith.constant 0 : i32
      %dma_wait3A_109 = tpu.memref_slice %arg15[%add3A_76, %dma_wait3A] : memref<5248x128xf32, #tpu.memory_space<vmem_shared>> -> memref<128x128xf32, #tpu.memory_space<vmem_shared>>
      %dma_wait3A_110 = arith.constant 0 : i32
      %dma_wait3A_111 = tpu.memref_slice %arg15[%add3A_76, %dma_wait3A_110] : memref<5248x128xf32, #tpu.memory_space<vmem_shared>> -> memref<128x128xf32, #tpu.memory_space<vmem_shared>>
      tpu.wait_dma2 semaphore(%run_scoped3A_105 : memref<!tpu.dma_semaphore, #tpu.memory_space<semaphore_mem>>) src(%arg14 : memref<128x128xf32, #tpu.memory_space<vmem>>) dst(%dma_wait3A_111 : memref<128x128xf32, #tpu.memory_space<vmem_shared>>)
      tpu.yield
    }) : () -> ()
    %mul3A_77 = arith.constant 320 : i32
    %mul3A_78 = arith.muli %arg1, %mul3A_77 : i32
    %add3A_79 = arith.constant 128 : i32
    %add3A_80 = arith.addi %mul3A_78, %add3A_79 : i32
    "tpu.region"() ({
      %run_scoped3A_105 = tpu.sem_alloc : memref<!tpu.dma_semaphore, #tpu.memory_space<semaphore_mem>>
      %dma_start3A = arith.constant 0 : i32
      %dma_start3A_106 = tpu.memref_slice %arg15[%add3A_80, %dma_start3A] : memref<5248x128xf32, #tpu.memory_space<vmem_shared>> -> memref<128x128xf32, #tpu.memory_space<vmem_shared>>
      %dma_start3A_107 = arith.constant 0 : i32
      %dma_start3A_108 = tpu.memref_slice %arg15[%add3A_80, %dma_start3A_107] : memref<5248x128xf32, #tpu.memory_space<vmem_shared>> -> memref<128x128xf32, #tpu.memory_space<vmem_shared>>
      tpu.enqueue_dma source(%arg14 : memref<128x128xf32, #tpu.memory_space<vmem>>) target(%dma_start3A_108 : memref<128x128xf32, #tpu.memory_space<vmem_shared>>) target_semaphore(%run_scoped3A_105 : memref<!tpu.dma_semaphore, #tpu.memory_space<semaphore_mem>>)
      %dma_wait3A = arith.constant 0 : i32
      %dma_wait3A_109 = tpu.memref_slice %arg15[%add3A_80, %dma_wait3A] : memref<5248x128xf32, #tpu.memory_space<vmem_shared>> -> memref<128x128xf32, #tpu.memory_space<vmem_shared>>
      %dma_wait3A_110 = arith.constant 0 : i32
      %dma_wait3A_111 = tpu.memref_slice %arg15[%add3A_80, %dma_wait3A_110] : memref<5248x128xf32, #tpu.memory_space<vmem_shared>> -> memref<128x128xf32, #tpu.memory_space<vmem_shared>>
      tpu.wait_dma2 semaphore(%run_scoped3A_105 : memref<!tpu.dma_semaphore, #tpu.memory_space<semaphore_mem>>) src(%arg14 : memref<128x128xf32, #tpu.memory_space<vmem>>) dst(%dma_wait3A_111 : memref<128x128xf32, #tpu.memory_space<vmem_shared>>)
      tpu.yield
    }) : () -> ()
    %mul3A_81 = arith.constant 320 : i32
    %mul3A_82 = arith.muli %arg1, %mul3A_81 : i32
    %add3A_83 = arith.constant 320 : i32
    %add3A_84 = arith.addi %mul3A_82, %add3A_83 : i32
    %sub3A_85 = arith.constant 64 : i32
    %sub3A_86 = arith.subi %add3A_84, %sub3A_85 : i32
    "tpu.region"() ({
      %run_scoped3A_105 = tpu.sem_alloc : memref<!tpu.dma_semaphore, #tpu.memory_space<semaphore_mem>>
      %dma_start3A = arith.constant 0 : i32
      %dma_start3A_106 = arith.constant 0 : i32
      %dma_start3A_107 = tpu.memref_slice %arg14[%dma_start3A, %dma_start3A_106] : memref<128x128xf32, #tpu.memory_space<vmem>> -> memref<64x128xf32, #tpu.memory_space<vmem>>
      %dma_start3A_108 = arith.constant 0 : i32
      %dma_start3A_109 = tpu.memref_slice %arg15[%sub3A_86, %dma_start3A_108] : memref<5248x128xf32, #tpu.memory_space<vmem_shared>> -> memref<64x128xf32, #tpu.memory_space<vmem_shared>>
      %dma_start3A_110 = arith.constant 0 : i32
      %dma_start3A_111 = tpu.memref_slice %arg15[%sub3A_86, %dma_start3A_110] : memref<5248x128xf32, #tpu.memory_space<vmem_shared>> -> memref<64x128xf32, #tpu.memory_space<vmem_shared>>
      %dma_start3A_112 = arith.constant 0 : i32
      %dma_start3A_113 = arith.constant 0 : i32
      %dma_start3A_114 = tpu.memref_slice %arg14[%dma_start3A_112, %dma_start3A_113] : memref<128x128xf32, #tpu.memory_space<vmem>> -> memref<64x128xf32, #tpu.memory_space<vmem>>
      tpu.enqueue_dma source(%dma_start3A_114 : memref<64x128xf32, #tpu.memory_space<vmem>>) target(%dma_start3A_111 : memref<64x128xf32, #tpu.memory_space<vmem_shared>>) target_semaphore(%run_scoped3A_105 : memref<!tpu.dma_semaphore, #tpu.memory_space<semaphore_mem>>)
      %dma_wait3A = arith.constant 0 : i32
      %dma_wait3A_115 = arith.constant 0 : i32
      %dma_wait3A_116 = tpu.memref_slice %arg14[%dma_wait3A, %dma_wait3A_115] : memref<128x128xf32, #tpu.memory_space<vmem>> -> memref<64x128xf32, #tpu.memory_space<vmem>>
      %dma_wait3A_117 = arith.constant 0 : i32
      %dma_wait3A_118 = tpu.memref_slice %arg15[%sub3A_86, %dma_wait3A_117] : memref<5248x128xf32, #tpu.memory_space<vmem_shared>> -> memref<64x128xf32, #tpu.memory_space<vmem_shared>>
      %dma_wait3A_119 = arith.constant 0 : i32
      %dma_wait3A_120 = tpu.memref_slice %arg15[%sub3A_86, %dma_wait3A_119] : memref<5248x128xf32, #tpu.memory_space<vmem_shared>> -> memref<64x128xf32, #tpu.memory_space<vmem_shared>>
      %dma_wait3A_121 = arith.constant 0 : i32
      %dma_wait3A_122 = arith.constant 0 : i32
      %dma_wait3A_123 = tpu.memref_slice %arg14[%dma_wait3A_121, %dma_wait3A_122] : memref<128x128xf32, #tpu.memory_space<vmem>> -> memref<64x128xf32, #tpu.memory_space<vmem>>
      tpu.wait_dma2 semaphore(%run_scoped3A_105 : memref<!tpu.dma_semaphore, #tpu.memory_space<semaphore_mem>>) src(%dma_wait3A_123 : memref<64x128xf32, #tpu.memory_space<vmem>>) dst(%dma_wait3A_120 : memref<64x128xf32, #tpu.memory_space<vmem_shared>>)
      tpu.yield
    }) : () -> ()
    "tpu.region"() ({
      %run_scoped3A_105 = tpu.sem_alloc : memref<!tpu.dma_semaphore, #tpu.memory_space<semaphore_mem>>
      tpu.enqueue_dma source(%arg8 : memref<128x128xf32, #tpu.memory_space<hbm>>) target(%arg14 : memref<128x128xf32, #tpu.memory_space<vmem>>) target_semaphore(%run_scoped3A_105 : memref<!tpu.dma_semaphore, #tpu.memory_space<semaphore_mem>>)
      tpu.wait_dma2 semaphore(%run_scoped3A_105 : memref<!tpu.dma_semaphore, #tpu.memory_space<semaphore_mem>>) src(%arg8 : memref<128x128xf32, #tpu.memory_space<hbm>>) dst(%arg14 : memref<128x128xf32, #tpu.memory_space<vmem>>)
      tpu.yield
    }) : () -> ()
    %while3A_87 = arith.constant 0 : i32
    %while3A_88 = arith.constant 0 : i32
    %while3A_89 = arith.subi %squeeze3A, %while3A_88 : i32
    %while3A_90 = arith.addi %while3A_88, %while3A_89 : i32
    %while3A_91 = arith.constant 1 : i32
    %while3A_92 = arith.divsi %while3A_89, %while3A_91 : i32
    %while3A_93 = arith.muli %while3A_92, %while3A_91 : i32
    %while3A_94 = arith.addi %while3A_88, %while3A_93 : i32
    %while3A_95 = arith.constant 1 : i32
    scf.for %while3A_105 = %while3A_88 to %while3A_94 step %while3A_95  : i32 {
      %mul3A_106 = arith.constant 128 : i32
      %mul3A_107 = arith.muli %while3A_105, %mul3A_106 : i32
      %add3A_108 = arith.addi %multiple_of3A, %mul3A_107 : i32
      "tpu.region"() ({
        %run_scoped3A_109 = tpu.sem_alloc : memref<!tpu.dma_semaphore, #tpu.memory_space<semaphore_mem>>
        %dma_start3A = tpu.memref_slice %arg4[%add3A_108] : memref<164096xi32, #tpu.memory_space<hbm>> -> memref<128xi32, #tpu.memory_space<hbm>>
        %dma_start3A_110 = tpu.memref_slice %arg4[%add3A_108] : memref<164096xi32, #tpu.memory_space<hbm>> -> memref<128xi32, #tpu.memory_space<hbm>>
        tpu.enqueue_dma source(%dma_start3A_110 : memref<128xi32, #tpu.memory_space<hbm>>) target(%arg13 : memref<128xi32, #tpu.memory_space<vmem>>) target_semaphore(%run_scoped3A_109 : memref<!tpu.dma_semaphore, #tpu.memory_space<semaphore_mem>>)
        %dma_wait3A = tpu.memref_slice %arg4[%add3A_108] : memref<164096xi32, #tpu.memory_space<hbm>> -> memref<128xi32, #tpu.memory_space<hbm>>
        %dma_wait3A_111 = tpu.memref_slice %arg4[%add3A_108] : memref<164096xi32, #tpu.memory_space<hbm>> -> memref<128xi32, #tpu.memory_space<hbm>>
        tpu.wait_dma2 semaphore(%run_scoped3A_109 : memref<!tpu.dma_semaphore, #tpu.memory_space<semaphore_mem>>) src(%dma_wait3A_111 : memref<128xi32, #tpu.memory_space<hbm>>) dst(%arg13 : memref<128xi32, #tpu.memory_space<vmem>>)
        tpu.yield
      }) : () -> ()
      "tpu.region"() ({
        %run_scoped3A_109 = tpu.sem_alloc : memref<!tpu.dma_semaphore, #tpu.memory_space<semaphore_mem>>
        %dma_start3A = arith.constant 0 : i32
        %dma_start3A_110 = arith.constant 0 : i32
        %dma_start3A_111 = tpu.memref_slice %arg15[%dma_start3A, %dma_start3A_110] : memref<5248x128xf32, #tpu.memory_space<vmem_shared>> -> memref<5248x128xf32, #tpu.memory_space<vmem_shared>>
        tpu.enqueue_indirect_dma source(%arg14 : memref<128x128xf32, #tpu.memory_space<vmem>>) target(%dma_start3A_111 : memref<5248x128xf32, #tpu.memory_space<vmem_shared>>) offsets(%arg13 : memref<128xi32, #tpu.memory_space<vmem>>) semaphore(%run_scoped3A_109 : memref<!tpu.dma_semaphore, #tpu.memory_space<semaphore_mem>>) {add = true}
        %dma_wait3A = arith.constant 0 : i32
        %dma_wait3A_112 = arith.constant 0 : i32
        %dma_wait3A_113 = tpu.memref_slice %arg15[%dma_wait3A, %dma_wait3A_112] : memref<5248x128xf32, #tpu.memory_space<vmem_shared>> -> memref<5248x128xf32, #tpu.memory_space<vmem_shared>>
        tpu.wait_indirect_dma semaphore(%run_scoped3A_109 : memref<!tpu.dma_semaphore, #tpu.memory_space<semaphore_mem>>) src(%arg14 : memref<128x128xf32, #tpu.memory_space<vmem>>) dst(%dma_wait3A_113 : memref<5248x128xf32, #tpu.memory_space<vmem_shared>>)
        tpu.yield
      }) : () -> ()
    }
    %while3A_96 = arith.constant 1 : i32
    scf.for %while3A_105 = %while3A_94 to %while3A_90 step %while3A_96  : i32 {
      %mul3A_106 = arith.constant 128 : i32
      %mul3A_107 = arith.muli %while3A_105, %mul3A_106 : i32
      %add3A_108 = arith.addi %multiple_of3A, %mul3A_107 : i32
      "tpu.region"() ({
        %run_scoped3A_109 = tpu.sem_alloc : memref<!tpu.dma_semaphore, #tpu.memory_space<semaphore_mem>>
        %dma_start3A = tpu.memref_slice %arg4[%add3A_108] : memref<164096xi32, #tpu.memory_space<hbm>> -> memref<128xi32, #tpu.memory_space<hbm>>
        %dma_start3A_110 = tpu.memref_slice %arg4[%add3A_108] : memref<164096xi32, #tpu.memory_space<hbm>> -> memref<128xi32, #tpu.memory_space<hbm>>
        tpu.enqueue_dma source(%dma_start3A_110 : memref<128xi32, #tpu.memory_space<hbm>>) target(%arg13 : memref<128xi32, #tpu.memory_space<vmem>>) target_semaphore(%run_scoped3A_109 : memref<!tpu.dma_semaphore, #tpu.memory_space<semaphore_mem>>)
        %dma_wait3A = tpu.memref_slice %arg4[%add3A_108] : memref<164096xi32, #tpu.memory_space<hbm>> -> memref<128xi32, #tpu.memory_space<hbm>>
        %dma_wait3A_111 = tpu.memref_slice %arg4[%add3A_108] : memref<164096xi32, #tpu.memory_space<hbm>> -> memref<128xi32, #tpu.memory_space<hbm>>
        tpu.wait_dma2 semaphore(%run_scoped3A_109 : memref<!tpu.dma_semaphore, #tpu.memory_space<semaphore_mem>>) src(%dma_wait3A_111 : memref<128xi32, #tpu.memory_space<hbm>>) dst(%arg13 : memref<128xi32, #tpu.memory_space<vmem>>)
        tpu.yield
      }) : () -> ()
      "tpu.region"() ({
        %run_scoped3A_109 = tpu.sem_alloc : memref<!tpu.dma_semaphore, #tpu.memory_space<semaphore_mem>>
        %dma_start3A = arith.constant 0 : i32
        %dma_start3A_110 = arith.constant 0 : i32
        %dma_start3A_111 = tpu.memref_slice %arg15[%dma_start3A, %dma_start3A_110] : memref<5248x128xf32, #tpu.memory_space<vmem_shared>> -> memref<5248x128xf32, #tpu.memory_space<vmem_shared>>
        tpu.enqueue_indirect_dma source(%arg14 : memref<128x128xf32, #tpu.memory_space<vmem>>) target(%dma_start3A_111 : memref<5248x128xf32, #tpu.memory_space<vmem_shared>>) offsets(%arg13 : memref<128xi32, #tpu.memory_space<vmem>>) semaphore(%run_scoped3A_109 : memref<!tpu.dma_semaphore, #tpu.memory_space<semaphore_mem>>) {add = true}
        %dma_wait3A = arith.constant 0 : i32
        %dma_wait3A_112 = arith.constant 0 : i32
        %dma_wait3A_113 = tpu.memref_slice %arg15[%dma_wait3A, %dma_wait3A_112] : memref<5248x128xf32, #tpu.memory_space<vmem_shared>> -> memref<5248x128xf32, #tpu.memory_space<vmem_shared>>
        tpu.wait_indirect_dma semaphore(%run_scoped3A_109 : memref<!tpu.dma_semaphore, #tpu.memory_space<semaphore_mem>>) src(%arg14 : memref<128x128xf32, #tpu.memory_space<vmem>>) dst(%dma_wait3A_113 : memref<5248x128xf32, #tpu.memory_space<vmem_shared>>)
        tpu.yield
      }) : () -> ()
    }
    %mul3A_97 = arith.constant 320 : i32
    %mul3A_98 = arith.muli %arg1, %mul3A_97 : i32
    %mul3A_99 = arith.constant 5120 : i32
    %mul3A_100 = arith.muli %arg0, %mul3A_99 : i32
    %mul3A_101 = arith.constant 320 : i32
    %mul3A_102 = arith.muli %arg1, %mul3A_101 : i32
    %add3A_103 = arith.addi %mul3A_100, %mul3A_102 : i32
    %run_scoped3A_104 = arith.constant 2 : i32
    "tpu.region"() ({
      %run_scoped3A_105 = tpu.sem_alloc : memref<!tpu.dma_semaphore, #tpu.memory_space<semaphore_mem>>
      %dma_start3A = arith.constant 0 : i32
      %dma_start3A_106 = tpu.memref_slice %arg9[%run_scoped3A_104, %add3A_103, %dma_start3A] : memref<3x10240x128xf32, #tpu.memory_space<hbm>> -> memref<1x320x128xf32, #tpu.memory_space<hbm>>
      %dma_start3A_107 = tpu.memref_squeeze %dma_start3A_106 : memref<1x320x128xf32, #tpu.memory_space<hbm>> -> memref<320x128xf32, #tpu.memory_space<hbm>>
      %dma_start3A_108 = arith.constant 0 : i32
      %dma_start3A_109 = tpu.memref_slice %arg15[%mul3A_98, %dma_start3A_108] : memref<5248x128xf32, #tpu.memory_space<vmem_shared>> -> memref<320x128xf32, #tpu.memory_space<vmem_shared>>
      tpu.enqueue_dma source(%dma_start3A_109 : memref<320x128xf32, #tpu.memory_space<vmem_shared>>) target(%dma_start3A_107 : memref<320x128xf32, #tpu.memory_space<hbm>>) target_semaphore(%run_scoped3A_105 : memref<!tpu.dma_semaphore, #tpu.memory_space<semaphore_mem>>)
      %dma_wait3A = arith.constant 0 : i32
      %dma_wait3A_110 = tpu.memref_slice %arg9[%run_scoped3A_104, %add3A_103, %dma_wait3A] : memref<3x10240x128xf32, #tpu.memory_space<hbm>> -> memref<1x320x128xf32, #tpu.memory_space<hbm>>
      %dma_wait3A_111 = tpu.memref_squeeze %dma_wait3A_110 : memref<1x320x128xf32, #tpu.memory_space<hbm>> -> memref<320x128xf32, #tpu.memory_space<hbm>>
      %dma_wait3A_112 = arith.constant 0 : i32
      %dma_wait3A_113 = tpu.memref_slice %arg15[%mul3A_98, %dma_wait3A_112] : memref<5248x128xf32, #tpu.memory_space<vmem_shared>> -> memref<320x128xf32, #tpu.memory_space<vmem_shared>>
      tpu.wait_dma2 semaphore(%run_scoped3A_105 : memref<!tpu.dma_semaphore, #tpu.memory_space<semaphore_mem>>) src(%dma_wait3A_113 : memref<320x128xf32, #tpu.memory_space<vmem_shared>>) dst(%dma_wait3A_111 : memref<320x128xf32, #tpu.memory_space<hbm>>)
      tpu.yield
    }) : () -> ()
    return
  }
}

module attributes {stable_mosaic.version = 14 : i64} {
  func.func @_tc_body(%arg0: i32, %arg1: memref<1000x256xf32, #tpu.memory_space<vmem>>, %arg2: memref<3x1000x128xf32, #tpu.memory_space<vmem>>, %arg3: memref<512x256xf32, #tpu.memory_space<vmem>>, %arg4: memref<1x256xf32, #tpu.memory_space<vmem>>, %arg5: memref<1000x256xf32, #tpu.memory_space<vmem>>) attributes {dimension_semantics = [#tpu.dimension_semantics<arbitrary>], iteration_bounds = array<i64: 10>, scalar_prefetch = 0 : i64, scratch_operands = 0 : i64, tpu.core_type = #tpu.core_type<tc>, window_params = [{transform_indices = @transform_0, window_bounds = array<i64: 1000, 256>}, {transform_indices = @transform_1, window_bounds = array<i64: 3, 1000, 128>}, {pipeline_mode = #tpu.pipeline_mode<synchronous>, transform_indices = @transform_2, window_bounds = array<i64: 512, 256>}, {pipeline_mode = #tpu.pipeline_mode<synchronous>, transform_indices = @transform_3, window_bounds = array<i64: 1, 256>}, {transform_indices = @transform_4, window_bounds = array<i64: 1000, 256>}]} {
    %get3A = arith.constant 2 : index
    %get3A_0 = arith.constant 0 : index
    %get3A_1 = arith.constant 0 : index
    %get3A_2 = vector.load %arg2[%get3A, %get3A_0, %get3A_1] : memref<3x1000x128xf32, #tpu.memory_space<vmem>>, vector<1x1000x1xf32>
    %get3A_3 = vector.shape_cast %get3A_2 : vector<1x1000x1xf32> to vector<1000x1xf32>
    %max3A = arith.constant 1.000000e+00 : f32
    %max3A_4 = vector.broadcast %max3A : f32 to vector<1000x1xf32>
    %max3A_5 = arith.maximumf %get3A_3, %max3A_4 : vector<1000x1xf32>
    %div3A = arith.constant 1.000000e+00 : f32
    %div3A_6 = vector.broadcast %div3A : f32 to vector<1000x1xf32>
    %div3A_7 = arith.divf %div3A_6, %max3A_5 : vector<1000x1xf32>
    %get3A_8 = arith.constant 0 : index
    %get3A_9 = arith.constant 0 : index
    %get3A_10 = arith.constant 0 : index
    %get3A_11 = vector.load %arg2[%get3A_8, %get3A_9, %get3A_10] : memref<3x1000x128xf32, #tpu.memory_space<vmem>>, vector<1x1000x128xf32>
    %get3A_12 = vector.shape_cast %get3A_11 : vector<1x1000x128xf32> to vector<1000x128xf32>
    %get3A_13 = arith.constant 1 : index
    %get3A_14 = arith.constant 0 : index
    %get3A_15 = arith.constant 0 : index
    %get3A_16 = vector.load %arg2[%get3A_13, %get3A_14, %get3A_15] : memref<3x1000x128xf32, #tpu.memory_space<vmem>>, vector<1x1000x128xf32>
    %get3A_17 = vector.shape_cast %get3A_16 : vector<1x1000x128xf32> to vector<1000x128xf32>
    %concatenate3A = tpu.concatenate %get3A_12, %get3A_17 in 1 : vector<1000x128xf32>, vector<1000x128xf32> -> vector<1000x256xf32>
    %mul3A = vector.broadcast %div3A_7 : vector<1000x1xf32> to vector<1000x256xf32>
    %mul3A_18 = arith.mulf %concatenate3A, %mul3A : vector<1000x256xf32>
    %get3A_19 = arith.constant 0 : index
    %get3A_20 = arith.constant 0 : index
    %get3A_21 = vector.load %arg1[%get3A_19, %get3A_20] : memref<1000x256xf32, #tpu.memory_space<vmem>>, vector<1000x256xf32>
    %get3A_22 = arith.constant 0 : index
    %get3A_23 = arith.constant 0 : index
    %get3A_24 = vector.load %arg3[%get3A_22, %get3A_23] : memref<512x256xf32, #tpu.memory_space<vmem>>, vector<256x256xf32>
    %dot_general3A = arith.constant dense<0.000000e+00> : vector<1000x256xf32>
    %dot_general3A_25 = tpu.matmul %get3A_21, %get3A_24, %dot_general3A {dimension_numbers = #tpu.dot_dimension_numbers<[1], [0], [0], [1], [0, 0, 1, 1], [], []>, transpose_lhs_hint = false} : vector<1000x256xf32>, vector<256x256xf32>, vector<1000x256xf32> -> vector<1000x256xf32>
    %get3A_26 = arith.constant 256 : index
    %get3A_27 = arith.constant 0 : index
    %get3A_28 = vector.load %arg3[%get3A_26, %get3A_27] : memref<512x256xf32, #tpu.memory_space<vmem>>, vector<256x256xf32>
    %dot_general3A_29 = arith.constant dense<0.000000e+00> : vector<1000x256xf32>
    %dot_general3A_30 = tpu.matmul %mul3A_18, %get3A_28, %dot_general3A_29 {dimension_numbers = #tpu.dot_dimension_numbers<[1], [0], [0], [1], [0, 0, 1, 1], [], []>, transpose_lhs_hint = false} : vector<1000x256xf32>, vector<256x256xf32>, vector<1000x256xf32> -> vector<1000x256xf32>
    %add3A = arith.addf %dot_general3A_25, %dot_general3A_30 : vector<1000x256xf32>
    %get3A_31 = arith.constant 0 : index
    %get3A_32 = arith.constant 0 : index
    %get3A_33 = vector.load %arg4[%get3A_31, %get3A_32] : memref<1x256xf32, #tpu.memory_space<vmem>>, vector<1x256xf32>
    %add3A_34 = vector.broadcast %get3A_33 : vector<1x256xf32> to vector<1000x256xf32>
    %add3A_35 = arith.addf %add3A, %add3A_34 : vector<1000x256xf32>
    %swap3A = arith.constant 0 : index
    %swap3A_36 = arith.constant 0 : index
    %swap3A_37 = vector.load %arg5[%swap3A, %swap3A_36] : memref<1000x256xf32, #tpu.memory_space<vmem>>, vector<1000x256xf32>
    tpu.vector_store %arg5[%swap3A, %swap3A_36], %add3A_35 {strides = array<i32>} : memref<1000x256xf32, #tpu.memory_space<vmem>>, vector<1000x256xf32>,
    return
  }
  func.func @transform_0(%arg0: i32) -> (i32, i32) {
    %c0_i32 = arith.constant 0 : i32
    %c0_i32_0 = arith.constant 0 : i32
    return %arg0, %c0_i32 : i32, i32
  }
  func.func @transform_1(%arg0: i32) -> (i32, i32, i32) {
    %c0_i32 = arith.constant 0 : i32
    %c0_i32_0 = arith.constant 0 : i32
    %c0_i32_1 = arith.constant 0 : i32
    return %c0_i32, %arg0, %c0_i32_0 : i32, i32, i32
  }
  func.func @transform_2(%arg0: i32) -> (i32, i32) {
    %c0_i32 = arith.constant 0 : i32
    %c0_i32_0 = arith.constant 0 : i32
    %c0_i32_1 = arith.constant 0 : i32
    return %c0_i32, %c0_i32_0 : i32, i32
  }
  func.func @transform_3(%arg0: i32) -> (i32, i32) {
    %c0_i32 = arith.constant 0 : i32
    %c0_i32_0 = arith.constant 0 : i32
    %c0_i32_1 = arith.constant 0 : i32
    return %c0_i32, %c0_i32_0 : i32, i32
  }
  func.func @transform_4(%arg0: i32) -> (i32, i32) {
    %c0_i32 = arith.constant 0 : i32
    %c0_i32_0 = arith.constant 0 : i32
    return %arg0, %c0_i32 : i32, i32
  }
}

</mosaic_0001>

<sc_bundles>
// kernel: gather_offload_async_start.1
scs
__scs_entry_jumppad:
0x0: {  	(pc) =	sbr.rel $0x88, $3  }
0x1: {  	(tag) =	ssettag $0x0;
	lr =	simm.s32 $0x1  }
0x2: {  	[smem:$0x3F9D] =	sst lr;
	_ =	strace $0xD0000000  }
0x3: {  	_ = 	snop  }
0x4: {  	_ = 	snop  }
0x5: {  	_ = 	snop  }
0x6: {  	_ = 	snop  }
0x7: {  	_ = 	snop  }
__scs_overlays_trampoline_lowered:
0x8: {  	[smem:$0x3FAC] =	sst s0  }
0x9: {  	[smem:$0x3FAD] =	sst s1  }
0xa: {  	[smem:$0x3FAE] =	sst s2  }
0xb: {  	[smem:$0x3FAF] =	sst s3  }
0xc: {  	[smem:$0x3FB0] =	sst s4  }
0xd: {  	[smem:$0x3FB1] =	sst s5  }
0xe: {  	[smem:$0x3FB2] =	sst s6  }
0xf: {  	[smem:$0x3FB3] =	sst s7  }
0x10: {  	[smem:$0x3FB4] =	sst s8  }
0x11: {  	[smem:$0x3FB5] =	sst s9;
	s0 =	simm.s32 @!p0 $0x0  }
0x12: {  	s1 =	sld [smem:$0x3F9B];
	s0 =	simm.s32 @p0 $0x1  }
0x13: {  	[smem:$0x3FB6] =	sst s0;
	s0 =	simm.s32 @!p1 $0x0  }
0x14: {  	s2 =	sld [smem:$0x3F9A];
	s0 =	simm.s32 @p1 $0x1  }
0x15: {  	[smem:$0x3FB7] =	sst s0;
	s0 =	simm.s32 @!p2 $0x0  }
0x16: {  	s3 =	sld [smem:$0x3FDB];
	s0 =	simm.s32 @p2 $0x1  }
0x17: {  	s4 =	simm.s32 $0x1BF5;
	[smem:$0x3FB9] =	sst s0  }
0x18: {  	s0 =	sld [smem:$0x3F9C];
	_ =	swait.ge [sflag:s4], $0x0  }
0x19: {  	s7 =	sld [smem:$0x3F9D]  }
0x1a: {  	s8 =	sadd.s32 $0xFFFFE003, lr  }
0x1b: {  	s9 =	sadd.s32 $0xFFFFFEF7, lr;
	s5 =	simm.s32 $0xFFFFFFFF;
	p2 =	slt.u32 s8, $0xFFFFF086  }
0x1c: {  	p1 =	slt.u32 s9, $0xF7A;
	s5 =	simm.s32 @!p2 $0x0  }
0x1d: {  	s5 =	simm.s32 @p1 $0x1;
	p0 =	seq.s32 s7, s2  }
0x1e: {  	s7 =	smul.u32 @!p0 $0xF7A, s2;
	p2 =	seq.s32 @!p0 s5, $0x0  }
0x1f: {  	s9 =	smul.u32 $0xF7A, s1;
	s8 =	simm.s32 @!p0 $0x1BF5;
	p2 =	por !p2, p0  }
0x20: {  	[sflag:s8] =	ssyncset.s32 @!p0 $0xFFFFF086;
	s6 =	sadd.s32 @!p0 s3, s7;
	s7 =	simm.s32 @!p0 $0x108  }
0x21: {  	s3 =	sadd.s32 s3, s9;
	s6 =	sadd.s32 @!p0 $0x88, s6;
	s7 =	simm.s32 @p2 $0x1082  }
0x22: {  	[simem:s7], [sflag:s8] =	dma.local @!p0 [hbm:s6], $0xF7A  }
0x23: {  	s9 =	sor.u32 $0xD0000000, s2;
	s6 =	simm.s32 $0x108;
	_ =	swait.ge @!p0 [sflag:s8], $0x0  }
0x24: {  	s3 =	sadd.s32 $0x88, s3;
	s6 =	simm.s32 @!p1 $0x1082;
	[sflag:s4] =	ssyncset.s32 $0xFFFFF086  }
0x25: {  	[simem:s6], [sflag:s4] =	dma.local [hbm:s3], $0xF7A  }
0x26: {  	[smem:$0x3F9D] =	sst s1;
	(tag) =	ssettag s2;
	_ =	strace s9  }
0x27: {  	s1 =	sld [smem:$0x3FAD]  }
0x28: {  	s2 =	sld [smem:$0x3FAE]  }
0x29: {  	s4 =	sld [smem:$0x3FB0]  }
0x2a: {  	p0 =	seq.s32 s5, $0x0;
	s5 =	sld [smem:$0x3FB1]  }
0x2b: {  	s6 =	sld [smem:$0x3FB2]  }
0x2c: {  	s7 =	sld [smem:$0x3FB3]  }
0x2d: {  	s3 =	simm.s32 $0x108;
	s8 =	sld [smem:$0x3FB4]  }
0x2e: {  	s3 =	simm.s32 @!p0 $0x1082;
	s9 =	sld [smem:$0x3FB5]  }
0x2f: {  	lr =	sadd.s32 s0, s3;
	s0 =	sld [smem:$0x3FAC]  }
0x30: {  	s3 =	sld [smem:$0x3FAF]  }
0x31: {  	[smem:$0x3FB8] =	sst s10  }
0x32: {  	s10 =	sld [smem:$0x3FB6];
	_ =	sdelay $0x3  }
0x33: {  	p0 =	seq.s32 s10, $0x1;
	s10 =	sld [smem:$0x3FB8];
	_ =	sdelay $0x3  }
0x34: {  	[smem:$0x3FB8] =	sst s10  }
0x35: {  	s10 =	sld [smem:$0x3FB7];
	_ =	sdelay $0x3  }
0x36: {  	p1 =	seq.s32 s10, $0x1;
	s10 =	sld [smem:$0x3FB8];
	_ =	sdelay $0x3  }
0x37: {  	[smem:$0x3FB8] =	sst s10  }
0x38: {  	s10 =	sld [smem:$0x3FB9]  }
0x39: {  	_ = 	snop;
	(pc) =	sbr.ind lr, $3  }
0x3a: {  	_ = 	snop  }
0x3b: {  	_ = 	snop  }
0x3c: {  	p2 =	seq.s32 s10, $0x1;
	s10 =	sld [smem:$0x3FB8]  }
0x3d: {  	_ =	shalt  }
0x3e: {  	_ =	shalt  }
0x3f: {  	_ =	shalt  }
0x40: {  	_ =	shalt  }
0x41: {  	_ =	shalt  }
0x42: {  	_ =	shalt  }
0x43: {  	_ =	shalt  }
0x44: {  	_ =	shalt  }
0x45: {  	_ =	shalt  }
0x46: {  	_ =	shalt  }
0x47: {  	_ =	shalt  }
0x48: {  	_ =	shalt  }
0x49: {  	_ =	shalt  }
0x4a: {  	_ =	shalt  }
0x4b: {  	_ =	shalt  }
0x4c: {  	_ =	shalt  }
0x4d: {  	_ =	shalt  }
0x4e: {  	_ =	shalt  }
0x4f: {  	_ =	shalt  }
0x50: {  	_ =	shalt  }
0x51: {  	_ =	shalt  }
0x52: {  	_ =	shalt  }
0x53: {  	_ =	shalt  }
0x54: {  	_ =	shalt  }
0x55: {  	_ =	shalt  }
0x56: {  	_ =	shalt  }
0x57: {  	_ =	shalt  }
0x58: {  	_ =	shalt  }
0x59: {  	_ =	shalt  }
0x5a: {  	_ =	shalt  }
0x5b: {  	_ =	shalt  }
0x5c: {  	_ =	shalt  }
0x5d: {  	_ =	shalt  }
0x5e: {  	_ =	shalt  }
0x5f: {  	_ =	shalt  }
0x60: {  	_ =	shalt  }
0x61: {  	_ =	shalt  }
0x62: {  	_ =	shalt  }
0x63: {  	_ =	shalt  }
0x64: {  	_ =	shalt  }
0x65: {  	_ =	shalt  }
0x66: {  	_ =	shalt  }
0x67: {  	_ =	shalt  }
0x68: {  	_ =	shalt  }
0x69: {  	_ =	shalt  }
0x6a: {  	_ =	shalt  }
0x6b: {  	_ =	shalt  }
0x6c: {  	_ =	shalt  }
0x6d: {  	_ =	shalt  }
0x6e: {  	_ =	shalt  }
0x6f: {  	_ =	shalt  }
0x70: {  	_ =	shalt  }
0x71: {  	_ =	shalt  }
0x72: {  	_ =	shalt  }
0x73: {  	_ =	shalt  }
0x74: {  	_ =	shalt  }
0x75: {  	_ =	shalt  }
0x76: {  	_ =	shalt  }
0x77: {  	_ =	shalt  }
0x78: {  	_ =	shalt  }
0x79: {  	_ =	shalt  }
0x7a: {  	_ =	shalt  }
0x7b: {  	_ =	shalt  }
0x7c: {  	_ =	shalt  }
0x7d: {  	_ =	shalt  }
0x7e: {  	_ =	shalt  }
0x7f: {  	_ =	shalt  }
0x80: {  	_ =	shalt  }
0x81: {  	_ =	shalt  }
0x82: {  	_ =	shalt  }
0x83: {  	_ =	shalt  }
0x84: {  	_ =	shalt  }
0x85: {  	_ =	shalt  }
0x86: {  	_ =	shalt  }
0x87: {  	_ =	shalt  }
.Lfunc_end0:
.L_simem_size_0:
called_computation.1_lowered:
.L_overlay_start_0:
0x88: {  	s2 =	sld [smem:$0x3FD9]  }
0x89: {  	s3 =	sld [smem:$0x3FFE];
	_ =	sdelay $0x1  }
0x8a: {  	s1 =	srdreg.scid  }
0x8b: {  	s0 =	sand.u32 $0x1, s1  }
0x8c: {  	s16 =	sshll.u32 s0, $0xA;
	s2 =	sadd.s32 s3, s2  }
0x8d: {  	s2 =	sadd.s32 s2, s16  }
0x8e: {  	[smem:$0x3FC4] =	sst s2  }
0x8f: {  	_ = 	snop  }
0x90: {  	(tm) =	ssettm $0x1  }
0x91: {  	s17 =	sld [smem:$0x3FFB];
	_ =	sdelay $0x3  }
0x92: {  	_ =	strace s17  }
0x93: {  	s2 =	sld [smem:$0x3FFC];
	_ =	sdelay $0x3  }
0x94: {  	_ =	strace s2  }
0x95: {  	s2 =	sld [smem:$0x3FFD];
	_ =	sdelay $0x3  }
0x96: {  	_ =	strace s2  }
0x97: {  	_ =	strace $0x8FFFFFFF  }
0x98: {  	s18 =	sld [smem:$0x3FDB];
	_ =	sdelay $0x1  }
0x99: {  	s19 =	simm.s32 $_scs_section_size  }
0x9a: {  	s4 =	simm.s32 $_size__tile_overlayer_lowered;
	s5 =	simm.s32 $_tile_overlayer_lowered  }
0x9b: {  	s22 =	simm.s32 $0x1BFF;
	s21 =	sshll.u32 s5, $0x1;
	s2 =	sadd.s32 s19, s18  }
0x9c: {  	s6 =	simm.s32 $0x0;
	s20 =	sshll.u32 s4, $0x1;
	s4 =	sadd.s32 s21, s2  }
0x9d: {  	[timem:s6], [sflag:s22] =	dma.local [hbm:s4], s20  }
0x9e: {  	_ =	swait.ge [sflag:s22], s20  }
0x9f: {  	s3 =	ssub.s32 $0x0, s20;
	[sflag:s22] =	ssyncset.done $0x0  }
0xa0: {  	[sflag:s22] =	ssyncadd.s32 s3;
	_ =	sdelay $0x1  }
0xa1: {  	s23 =	simm.s32 $0x1B8B  }
0xa2: {  	_ =	swait.ge [sflag:s23], $0x1  }
0xa3: {  	[sflag:s23] =	ssyncset.done $0x0  }
0xa4: {  	s25 =	simm.s32 $0x1B8E;
	s24 =	sld [smem:$0x3FFE];
	[sflag:s23] =	ssyncadd.s32 $0xFFFFFFFF  }
0xa5: {  	s26 =	simm.s32 $execute0_lowered;
	[smem:$0x3FD2] =	sst s25  }
0xa6: {  	s4 =	sshll.u32 s26, $0x1;
	_ =	strace $0x80000049;
	[dreg:$0x1] =	wrdreg $0xFFFFFFFF  }
0xa7: {  	s28 =	simm.s32 $_size_execute0_lowered;
	s2 =	sadd.s32 s2, s4;
	[dreg:$0x0] =	wrdreg $0x0  }
0xa8: {  	s4 =	sshll.u32 s28, $0x1;
	[dreg:$0x2] =	wrdreg s2  }
0xa9: {  	[dreg:$0x3] =	wrdreg s4  }
0xaa: {  	[dreg:$0x4] =	wrdreg $0xC0  }
0xab: {  	_ =	task [dreg:s6], $0x5FFFF  }
0xac: {  	[dreg:$0x1] =	wrdreg $0xFFFFFFFF  }
0xad: {  	[dreg:$0x0] =	wrdreg $0x60  }
0xae: {  	[dreg:$0x2] =	wrdreg s24  }
0xaf: {  	[dreg:$0x3] =	wrdreg $0x9  }
0xb0: {  	_ =	task.clear_ibuf [dreg:s6], $0x4FFFF;
	_ =	strace $0x90000049  }
0xb1: {  	s29 =	simm.s32 $0x9;
	_ =	strace $0x8000004B  }
0xb2: {  	_ =	swait.ge [sflag:s29], $0x1  }
0xb3: {  	[sflag:s29] =	ssyncadd.s32 $0xFFFFFFFF  }
0xb4: {  	_ =	strace $0x9000004B  }
0xb5: {  	_ =	sfence  }
0xb6: {  	s30 =	sld [smem:$0x0];
	_ =	sdelay $0x2  }
0xb7: {  	s31 =	sshll.u32 s1, $0xD;
	s1 =	sshrl.u32 s1, $0x2  }
0xb8: {  	s3 =	sand.u32 $0x4000, s31;
	s1 =	sadd.s32 s1, s30  }
0xb9: {  	s0 =	sor.u32 s3, s0;
	s1 =	sshll.u32 s1, $0x11  }
0xba: {  	s0 =	sor.u32 s1, s0  }
0xbb: {  	s0 =	sadd.s32 $0x8F2B, s0  }
0xbc: {  	[sflag:s0] =	ssyncadd.remote.s32 $0x1  }
0xbd: {  	_ =	sfence.sel $0xFFFF  }
0xbe: {  	[dreg:$0x0] =	wrdreg $0xFFFFFFFF;
	(pc) =	sbr.abs _section_cstart, $3  }
0xbf: {  	[dreg:$0x1] =	wrdreg $0xFFFFFFFF  }
0xc0: {  	_ =	task.clear_ibuf [dreg:s6], $0x2FFFF;
	_ =	strace $0x9FFFFFFF  }
0xc1: {  	(tm) =	ssettm $0x7FFFFFFF  }
tec
execute0_lowered:
.L_overlay_start_1:
0x0: {  	(tag) =	ssettag $0x1  }
0x1: {  	s0 =	srdreg.scid;
	s5 =	rddreg [dreg:$0x0]  }
0x2: {  	s1 =	stileid.u32;
	s6 =	simm.s32 $0x1;
	s9 =	simm.s32 $0x1  }
0x3: {  	s10 =	simm.s32 $0x3;
	s13 =	simm.s32 $0x0;
	s2 =	sshll.u32 s0, $0x7  }
0x4: {  	s12 =	simm.s32 $0x0;
	s3 =	sshll.u32 s1, $0x8;
	s2 =	sand.u32 $0x80, s2  }
0x5: {  	s0 =	rddreg [dreg:$0x1];
	_ =	strace $0x8000004A;
	s2 =	sor.u32 s3, s2  }
0x6: {  	s4 =	sadd.s32 $0x2DE00, s5;
	[sflag:s6] =	ssyncpa.u1 $0x0;
	s8 =	ssub.s32 $0x28100, s2  }
.Ltmp0:
0x7: {  	s3 =	sadd.s32 $0x1C000, s5;
	s7 =	sand.u32 $0xF80, s8;
	(pc) =	sbr.rel .LBB2_1-.Ltmp0, $4  }
0x8: {  	s5 =	sadd.s32 $0x33000, s5;
	s11 =	smov.u32 s2;
	p0 =	sne.s32 s7, $0x0  }
0x9: {  	s8 =	sshrl.u32 s8, $0xC;
	s7 =	simm.s32 $0x2;
	s9 =	simm.s32 @!p0 $0x0  }
0xa: {  	[sflag:s7] =	ssyncpa.u1 $0x0;
	p0 =	por $0x0, $0x0;
	s8 =	sadd.s32 s9, s8  }
0xb: {  	vm0 =	vmmov $0xffff;
	[sflag:s10] =	ssyncpa.u1 $0x0;
	s10 =	simm.s32 $0x0;
	s9 =	sadd.s32 $0x1, s8  }
.LBB2_4:
0xc: {  	v2 =	vnsel vm1, $0x0, v2  }
0xd: {  	vm1 =	vgt.s32 v0, $0x0;
	v2 =	vmin.u32 v2, $0x270FF  }
0xe: {  	v0 =	vnsel vm1, $0x0, v0  }
0xf: {  	v0 =	vmin.u32 v0, $0x270FF  }
0x10: {  	[tilespmem:s15], [sflag:$0x1] =	stream.indirect_vreg.gather [hbm4b:s3+s10], $0x1, v1, vm0, $0x4038;
	[tilespmem:$0x200] =	vst v63  }
0x11: {  	(ifvalue) =	ssetifvalue $0x7FFFFFFF  }
0x12: {  	[tilespmem:s16], [sflag:$0x1] =	stream.indirect_vreg.gather [hbm4b:s3+s10], $0x1, v2, vm0, $0x4038;
	[tilespmem:$0x200] =	vst v63  }
0x13: {  	s29 =	sadd.s32 $0x10, s16;
	(ifvalue) =	ssetifvalue $0x7FFFFFFF  }
0x14: {  	[tilespmem:s29], [sflag:$0x1] =	stream.indirect_vreg.gather [hbm4b:s3+s10], $0x1, v0, vm0, $0x4038;
	[tilespmem:$0x200] =	vst v63  }
0x15: {  	_ =	swait.ge [sflag:s6], $0x80  }
0x16: {  	s30 =	sshrl.u32 s13, $0x3;
	[sflag:s6] =	ssyncset.done $0x0  }
0x17: {  	s31 =	sand.u32 $0x7, s13;
	s15 =	sadd.s32 s5, s30;
	[sflag:s6] =	ssyncadd.s32 $0xFFFFFF80  }
0x18: {  	[hbm4b:s15+s31] =	stream.linear.scatter [tilespmem:s14], [sflag:$0x3], $0x80, $0x38;
	[tilespmem:$0x200] =	vst v63  }
.LBB2_5:
0x19: {  	s15 =	sadd.s32 $0x1000, s11  }
0x1a: {  	p2 =	sgt.s32 s15, $0x280FF  }
0x1b: {  	s15 =	smov.u32 @p2 s2;
	p2 =	sne.s32 s12, s9  }
.Ltmp1:
0x1c: {  	p1 =	slt.u32 s12, $0x2;
	(pc) =	sbr.rel @!p2 .LBB2_6-.Ltmp1, $4  }
0x1d: {  	s14 =	simm.s32 @!p1 $0x3  }
0x1e: {  	s16 =	sadd.s32 $0x1, s12;
	_ =	swait.ge @!p1 [sflag:s14], $0x80  }
0x1f: {  	s13 =	smov.u32 s11;
	p0 =	por !p0, !p0;
	[sflag:s14] =	ssyncset.done @!p1 $0x0  }
0x20: {  	s12 =	smov.u32 s16;
	s11 =	smov.u32 s15;
	[sflag:s14] =	ssyncadd.s32 @!p1 $0xFFFFFF80  }
.LBB2_1:
0x21: {  	p1 =	sge.u32 s12, s8  }
0x22: {  	s14 =	sxor.u32 @!p1 $0xFFFFFFFF, s12  }
0x23: {  	s31 =	sadd.s32 $0xFFFFFFFF, s12;
	s15 =	sshrl.u32 @!p1 s11, $0x3;
	s14 =	sshll.u32 @!p1 s14, $0x7  }
0x24: {  	s16 =	sand.u32 @!p1 $0x7, s11;
	s15 =	sadd.s32 @!p1 s4, s15;
	s14 =	sand.u32 @!p1 $0x80, s14  }
0x25: {  	[tilespmem:s14], [sflag:$0x2] =	stream.linear.gather @!p1 [hbm4b:s15+s16], $0x80, $0x38;
	[tilespmem:$0x200] =	vst v63  }
0x26: {  	p1 =	sge.u32 s31, s8  }
.Ltmp2:
0x27: {  	_ = 	snop;
	(pc) =	sbr.rel @p1 .LBB2_5-.Ltmp2, $1  }
0x28: {  	_ =	sdelay $0x3  }
0x29: {  	s14 =	simm.s32 $0x1  }
0x2a: {  	_ =	swait.ge [sflag:s7], $0x80;
	s14 =	simm.s32 @!p0 $0x0  }
0x2b: {  	[sflag:s7] =	ssyncset.done $0x0;
	s14 =	sshll.u32 s14, $0x7  }
0x2c: {  	[sflag:s7] =	ssyncadd.s32 $0xFFFFFF80;
	(ifvalue) =	ssetifvalue $0x7FFFFFFF;
	v0 =	vld.msk [tilespmem:s14+$0x0 ss:$0x1], $0xffff;
	_ =	sdelay $0x4  }
0x2d: {  	s15 =	sadd.s32 $0x10, s14;
	vm1 =	vgt.s32 v0, $0x0  }
0x2e: {  	v2 =	vld.msk [tilespmem:s15+$0x0 ss:$0x1], $0xffff;
	v1 =	vnsel vm1, $0x0, v0  }
0x2f: {  	v1 =	vmin.u32 v1, $0x270FF;
	_ =	sdelay $0x1  }
0x30: {  	s16 =	sshll.u32 s12, $0x7;
	s18 =	simm.s32 $0x20  }
0x31: {  	s16 =	sand.u32 $0x80, s16;
	s17 =	sadd.s32 $0x10, s15;
	s15 =	sor.u32 $0x100, s14  }
0x32: {  	s14 =	sor.u32 $0x100, s16;
	s16 =	sadd.s32 $0x10, s15;
	v0 =	vld.msk [tilespmem:s17+$0x0 ss:$0x1], $0xffff;
	vm1 =	vgt.s32 v2, $0x0;
	(ifvalue) =	ssetifvalue $0x7FFFFFFF  }
.LBB2_3:
0x33: {  	[tilespmem:s15], [sflag:$0x1] =	stream.indirect_vreg.gather [hbm4b:s3+s10], $0x1, v1, vm0, $0x4038;
	[tilespmem:$0x200] =	vst v63  }
0x34: {  	s18 =	sadd.s32 $0x10, s18  }
0x35: {  	v2 =	vnsel vm1, $0x0, v2;
	p1 =	slt.u32 s18, $0x70  }
.Ltmp3:
0x36: {  	s15 =	smov.u32 s16;
	v1 =	vmin.u32 v2, $0x270FF;
	(pc) =	sbr.rel @p1 .LBB2_3-.Ltmp3, $3  }
0x37: {  	_ =	sdelay $0x1  }
0x38: {  	s17 =	sadd.s32 $0x10, s17  }
0x39: {  	vm1 =	vgt.s32 v0, $0x0;
	s16 =	sadd.s32 $0x10, s16;
	v2 =	vmov v0;
	(ifvalue) =	ssetifvalue $0x7FFFFFFF;
	v0 =	vld.msk [tilespmem:s17+$0x0 ss:$0x1], $0xffff  }
.Ltmp4:
0x3a: {  	_ = 	snop;
	(pc) =	sbr.rel .LBB2_4-.Ltmp4, $1  }
0x3b: {  	_ =	sdelay $0x3  }
.LBB2_6:
0x3c: {  	_ =	sfence.sel $0x180000  }
0x3d: {  	s2 =	simm.s32 $0x2;
	[bflag:$0x0] =	sbarrier.arrive $0xFFFF  }
0x3e: {  	s30 =	simm.s32 $0x3;
	[sflag:s2] =	ssyncpa.u1 $0x1  }
0x3f: {  	s31 =	simm.s32 $0x1;
	[sflag:s30] =	ssyncpa.u1 $0x1  }
0x40: {  	[sflag:s31] =	ssyncpa.u1 $0x1  }
0x41: {  	p0 =	sne.s32 s1, $0x0;
	_ =	strace $0x9000004A  }
0x42: {  	s0 =	sadd.s32 @!p0 $0x100000, s0;
	[bflag:$0x2] =	sbarrier.arrive $0xFFFF  }
0x43: {  	[sflag:s0] =	ssyncadd.tile.s32 @!p0 $0x1;
	_ =	shalt  }
.Lfunc_end2:
_tile_overlayer_lowered:
.L_overlay_start_2:
0x44: {  	(tag) =	ssettag $0x2  }
0x45: {  	s0 =	rddreg [dreg:$0x0];
	s2 =	stileid.u32  }
0x46: {  	s1 =	rddreg [dreg:$0x1];
	p0 =	sne.s32 s2, $0x0  }
0x47: {  	s3 =	rddreg [dreg:$0x2];
	[bflag:$0x3] =	sbarrier.arrive $0xFFFF;
	s2 =	simm.s32 @!p0 $0x1C01  }
0x48: {  	[timem:s3], [sflag:s2] =	dma.local @!p0 [hbm:s0], s1  }
0x49: {  	s0 =	simm.s32 @!p0 $0x1  }
0x4a: {  	_ =	swait.ge @!p0 [sflag:s0], s1  }
0x4b: {  	s1 =	ssub.s32 @!p0 $0x0, s1;
	[sflag:s0] =	ssyncset.done @!p0 $0x0  }
0x4c: {  	[sflag:s0] =	ssyncadd.s32 @!p0 s1  }
0x4d: {  	[bflag:$0x3] =	sbarrier.arrive $0xFFFF  }
0x4e: {  	_ =	shalt  }

// kernel: gather_offload_async_start.2
scs
__scs_entry_jumppad:
0x0: {  	(pc) =	sbr.rel $0x88, $3  }
0x1: {  	(tag) =	ssettag $0x0;
	lr =	simm.s32 $0x1  }
0x2: {  	[smem:$0x3F9D] =	sst lr;
	_ =	strace $0xD0000000  }
0x3: {  	_ = 	snop  }
0x4: {  	_ = 	snop  }
0x5: {  	_ = 	snop  }
0x6: {  	_ = 	snop  }
0x7: {  	_ = 	snop  }
__scs_overlays_trampoline_lowered:
0x8: {  	[smem:$0x3FAC] =	sst s0  }
0x9: {  	[smem:$0x3FAD] =	sst s1  }
0xa: {  	[smem:$0x3FAE] =	sst s2  }
0xb: {  	[smem:$0x3FAF] =	sst s3  }
0xc: {  	[smem:$0x3FB0] =	sst s4  }
0xd: {  	[smem:$0x3FB1] =	sst s5  }
0xe: {  	[smem:$0x3FB2] =	sst s6  }
0xf: {  	[smem:$0x3FB3] =	sst s7  }
0x10: {  	[smem:$0x3FB4] =	sst s8  }
0x11: {  	[smem:$0x3FB5] =	sst s9;
	s0 =	simm.s32 @!p0 $0x0  }
0x12: {  	s1 =	sld [smem:$0x3F9B];
	s0 =	simm.s32 @p0 $0x1  }
0x13: {  	[smem:$0x3FB6] =	sst s0;
	s0 =	simm.s32 @!p1 $0x0  }
0x14: {  	s2 =	sld [smem:$0x3F9A];
	s0 =	simm.s32 @p1 $0x1  }
0x15: {  	[smem:$0x3FB7] =	sst s0;
	s0 =	simm.s32 @!p2 $0x0  }
0x16: {  	s3 =	sld [smem:$0x3FDB];
	s0 =	simm.s32 @p2 $0x1  }
0x17: {  	s4 =	simm.s32 $0x1BF5;
	[smem:$0x3FB9] =	sst s0  }
0x18: {  	s0 =	sld [smem:$0x3F9C];
	_ =	swait.ge [sflag:s4], $0x0  }
0x19: {  	s7 =	sld [smem:$0x3F9D]  }
0x1a: {  	s8 =	sadd.s32 $0xFFFFE003, lr  }
0x1b: {  	s9 =	sadd.s32 $0xFFFFFEF7, lr;
	s5 =	simm.s32 $0xFFFFFFFF;
	p2 =	slt.u32 s8, $0xFFFFF086  }
0x1c: {  	p1 =	slt.u32 s9, $0xF7A;
	s5 =	simm.s32 @!p2 $0x0  }
0x1d: {  	s5 =	simm.s32 @p1 $0x1;
	p0 =	seq.s32 s7, s2  }
0x1e: {  	s7 =	smul.u32 @!p0 $0xF7A, s2;
	p2 =	seq.s32 @!p0 s5, $0x0  }
0x1f: {  	s9 =	smul.u32 $0xF7A, s1;
	s8 =	simm.s32 @!p0 $0x1BF5;
	p2 =	por !p2, p0  }
0x20: {  	[sflag:s8] =	ssyncset.s32 @!p0 $0xFFFFF086;
	s6 =	sadd.s32 @!p0 s3, s7;
	s7 =	simm.s32 @!p0 $0x108  }
0x21: {  	s3 =	sadd.s32 s3, s9;
	s6 =	sadd.s32 @!p0 $0x88, s6;
	s7 =	simm.s32 @p2 $0x1082  }
0x22: {  	[simem:s7], [sflag:s8] =	dma.local @!p0 [hbm:s6], $0xF7A  }
0x23: {  	s9 =	sor.u32 $0xD0000000, s2;
	s6 =	simm.s32 $0x108;
	_ =	swait.ge @!p0 [sflag:s8], $0x0  }
0x24: {  	s3 =	sadd.s32 $0x88, s3;
	s6 =	simm.s32 @!p1 $0x1082;
	[sflag:s4] =	ssyncset.s32 $0xFFFFF086  }
0x25: {  	[simem:s6], [sflag:s4] =	dma.local [hbm:s3], $0xF7A  }
0x26: {  	[smem:$0x3F9D] =	sst s1;
	(tag) =	ssettag s2;
	_ =	strace s9  }
0x27: {  	s1 =	sld [smem:$0x3FAD]  }
0x28: {  	s2 =	sld [smem:$0x3FAE]  }
0x29: {  	s4 =	sld [smem:$0x3FB0]  }
0x2a: {  	p0 =	seq.s32 s5, $0x0;
	s5 =	sld [smem:$0x3FB1]  }
0x2b: {  	s6 =	sld [smem:$0x3FB2]  }
0x2c: {  	s7 =	sld [smem:$0x3FB3]  }
0x2d: {  	s3 =	simm.s32 $0x108;
	s8 =	sld [smem:$0x3FB4]  }
0x2e: {  	s3 =	simm.s32 @!p0 $0x1082;
	s9 =	sld [smem:$0x3FB5]  }
0x2f: {  	lr =	sadd.s32 s0, s3;
	s0 =	sld [smem:$0x3FAC]  }
0x30: {  	s3 =	sld [smem:$0x3FAF]  }
0x31: {  	[smem:$0x3FB8] =	sst s10  }
0x32: {  	s10 =	sld [smem:$0x3FB6];
	_ =	sdelay $0x3  }
0x33: {  	p0 =	seq.s32 s10, $0x1;
	s10 =	sld [smem:$0x3FB8];
	_ =	sdelay $0x3  }
0x34: {  	[smem:$0x3FB8] =	sst s10  }
0x35: {  	s10 =	sld [smem:$0x3FB7];
	_ =	sdelay $0x3  }
0x36: {  	p1 =	seq.s32 s10, $0x1;
	s10 =	sld [smem:$0x3FB8];
	_ =	sdelay $0x3  }
0x37: {  	[smem:$0x3FB8] =	sst s10  }
0x38: {  	s10 =	sld [smem:$0x3FB9]  }
0x39: {  	_ = 	snop;
	(pc) =	sbr.ind lr, $3  }
0x3a: {  	_ = 	snop  }
0x3b: {  	_ = 	snop  }
0x3c: {  	p2 =	seq.s32 s10, $0x1;
	s10 =	sld [smem:$0x3FB8]  }
0x3d: {  	_ =	shalt  }
0x3e: {  	_ =	shalt  }
0x3f: {  	_ =	shalt  }
0x40: {  	_ =	shalt  }
0x41: {  	_ =	shalt  }
0x42: {  	_ =	shalt  }
0x43: {  	_ =	shalt  }
0x44: {  	_ =	shalt  }
0x45: {  	_ =	shalt  }
0x46: {  	_ =	shalt  }
0x47: {  	_ =	shalt  }
0x48: {  	_ =	shalt  }
0x49: {  	_ =	shalt  }
0x4a: {  	_ =	shalt  }
0x4b: {  	_ =	shalt  }
0x4c: {  	_ =	shalt  }
0x4d: {  	_ =	shalt  }
0x4e: {  	_ =	shalt  }
0x4f: {  	_ =	shalt  }
0x50: {  	_ =	shalt  }
0x51: {  	_ =	shalt  }
0x52: {  	_ =	shalt  }
0x53: {  	_ =	shalt  }
0x54: {  	_ =	shalt  }
0x55: {  	_ =	shalt  }
0x56: {  	_ =	shalt  }
0x57: {  	_ =	shalt  }
0x58: {  	_ =	shalt  }
0x59: {  	_ =	shalt  }
0x5a: {  	_ =	shalt  }
0x5b: {  	_ =	shalt  }
0x5c: {  	_ =	shalt  }
0x5d: {  	_ =	shalt  }
0x5e: {  	_ =	shalt  }
0x5f: {  	_ =	shalt  }
0x60: {  	_ =	shalt  }
0x61: {  	_ =	shalt  }
0x62: {  	_ =	shalt  }
0x63: {  	_ =	shalt  }
0x64: {  	_ =	shalt  }
0x65: {  	_ =	shalt  }
0x66: {  	_ =	shalt  }
0x67: {  	_ =	shalt  }
0x68: {  	_ =	shalt  }
0x69: {  	_ =	shalt  }
0x6a: {  	_ =	shalt  }
0x6b: {  	_ =	shalt  }
0x6c: {  	_ =	shalt  }
0x6d: {  	_ =	shalt  }
0x6e: {  	_ =	shalt  }
0x6f: {  	_ =	shalt  }
0x70: {  	_ =	shalt  }
0x71: {  	_ =	shalt  }
0x72: {  	_ =	shalt  }
0x73: {  	_ =	shalt  }
0x74: {  	_ =	shalt  }
0x75: {  	_ =	shalt  }
0x76: {  	_ =	shalt  }
0x77: {  	_ =	shalt  }
0x78: {  	_ =	shalt  }
0x79: {  	_ =	shalt  }
0x7a: {  	_ =	shalt  }
0x7b: {  	_ =	shalt  }
0x7c: {  	_ =	shalt  }
0x7d: {  	_ =	shalt  }
0x7e: {  	_ =	shalt  }
0x7f: {  	_ =	shalt  }
0x80: {  	_ =	shalt  }
0x81: {  	_ =	shalt  }
0x82: {  	_ =	shalt  }
0x83: {  	_ =	shalt  }
0x84: {  	_ =	shalt  }
0x85: {  	_ =	shalt  }
0x86: {  	_ =	shalt  }
0x87: {  	_ =	shalt  }
.Lfunc_end0:
.L_simem_size_0:
called_computation.2_lowered:
.L_overlay_start_0:
0x88: {  	s2 =	sld [smem:$0x3FD9]  }
0x89: {  	s3 =	sld [smem:$0x3FFE];
	_ =	sdelay $0x1  }
0x8a: {  	s1 =	srdreg.scid  }
0x8b: {  	s0 =	sand.u32 $0x1, s1  }
0x8c: {  	s17 =	sshll.u32 s0, $0xA;
	s2 =	sadd.s32 s3, s2  }
0x8d: {  	s2 =	sadd.s32 s2, s17  }
0x8e: {  	[smem:$0x3FC4] =	sst s2  }
0x8f: {  	_ = 	snop  }
0x90: {  	(tm) =	ssettm $0x1  }
0x91: {  	s18 =	sld [smem:$0x3FFB];
	_ =	sdelay $0x3  }
0x92: {  	_ =	strace s18  }
0x93: {  	s2 =	sld [smem:$0x3FFC];
	_ =	sdelay $0x3  }
0x94: {  	_ =	strace s2  }
0x95: {  	s2 =	sld [smem:$0x3FFD];
	_ =	sdelay $0x3  }
0x96: {  	_ =	strace s2  }
0x97: {  	_ =	strace $0x8FFFFFFF  }
0x98: {  	s19 =	sld [smem:$0x3FDB];
	_ =	sdelay $0x1  }
0x99: {  	s20 =	simm.s32 $_scs_section_size  }
0x9a: {  	s4 =	simm.s32 $_size__tile_overlayer_lowered;
	s5 =	simm.s32 $_tile_overlayer_lowered  }
0x9b: {  	s6 =	simm.s32 $0x1BFF;
	s21 =	sshll.u32 s5, $0x1;
	s3 =	sadd.s32 s20, s19  }
0x9c: {  	s22 =	simm.s32 $0x0;
	s4 =	sshll.u32 s4, $0x1;
	s5 =	sadd.s32 s21, s3  }
0x9d: {  	[timem:s22], [sflag:s6] =	dma.local [hbm:s5], s4  }
0x9e: {  	_ =	swait.ge [sflag:s6], s4  }
0x9f: {  	s4 =	ssub.s32 $0x0, s4;
	[sflag:s6] =	ssyncset.done $0x0  }
0xa0: {  	[sflag:s6] =	ssyncadd.s32 s4;
	_ =	sdelay $0x1  }
0xa1: {  	s23 =	simm.s32 $0x1B8B  }
0xa2: {  	_ =	swait.ge [sflag:s23], $0x1  }
0xa3: {  	[sflag:s23] =	ssyncset.done $0x0  }
0xa4: {  	[sflag:s23] =	ssyncadd.s32 $0xFFFFFFFF  }
0xa5: {  	s4 =	sld [smem:$0x0]  }
0xa6: {  	s5 =	sand.u32 $0xFFFFFFFE, s1  }
0xa7: {  	p0 =	sne.s32 s1, s5  }
0xa8: {  	s5 =	sshll.u32 @p0 s5, $0xE  }
0xa9: {  	s5 =	sadd.s32 @p0 $0x11B8D, s5;
	s6 =	sshll.u32 @p0 s4, $0x11  }
0xaa: {  	s5 =	sor.u32 @p0 s6, s5  }
0xab: {  	[sflag:s5] =	ssyncadd.remote.s32 @p0 $0x1;
	_ =	sdelay $0x1  }
0xac: {  	s5 =	simm.s32 @p0 $0x1B8D  }
0xad: {  	_ =	swait.eq @p0 [sflag:s5], $0x1  }
0xae: {  	[sflag:s5] =	ssyncadd.s32 @p0 $0xFFFFFFFF  }
0xaf: {  	s6 =	sshll.u32 @!p0 s1, $0xE  }
0xb0: {  	s6 =	sor.u32 @!p0 $0x4000, s6;
	s5 =	simm.s32 @!p0 $0x1B8D  }
0xb1: {  	s4 =	sshll.u32 @!p0 s4, $0x11;
	s6 =	sadd.s32 @!p0 $0x11B8D, s6;
	_ =	swait.eq @!p0 [sflag:s5], $0x1  }
0xb2: {  	s4 =	sor.u32 @!p0 s4, s6;
	[sflag:s5] =	ssyncadd.s32 @!p0 $0xFFFFFFFF  }
0xb3: {  	s25 =	simm.s32 $0x1B8E;
	s24 =	sld [smem:$0x3FFE];
	[sflag:s4] =	ssyncadd.remote.s32 @!p0 $0x1  }
0xb4: {  	s26 =	simm.s32 $execute0_lowered;
	[smem:$0x3FD2] =	sst s25  }
0xb5: {  	s5 =	sshll.u32 s26, $0x1;
	_ =	strace $0x8000004F;
	[dreg:$0x1] =	wrdreg $0xFFFFFFFF  }
0xb6: {  	s28 =	simm.s32 $_size_execute0_lowered;
	s3 =	sadd.s32 s3, s5;
	[dreg:$0x0] =	wrdreg $0x0  }
0xb7: {  	s5 =	sshll.u32 s28, $0x1;
	[dreg:$0x2] =	wrdreg s3  }
0xb8: {  	[dreg:$0x3] =	wrdreg s5  }
0xb9: {  	[dreg:$0x4] =	wrdreg $0xC0  }
0xba: {  	_ =	task [dreg:s22], $0x5FFFF  }
0xbb: {  	[dreg:$0x1] =	wrdreg $0xFFFFFFFF  }
0xbc: {  	[dreg:$0x0] =	wrdreg $0x60  }
0xbd: {  	[dreg:$0x2] =	wrdreg s24  }
0xbe: {  	[dreg:$0x3] =	wrdreg $0x9  }
0xbf: {  	_ =	task.clear_ibuf [dreg:s22], $0x4FFFF;
	_ =	strace $0x9000004F  }
0xc0: {  	s29 =	simm.s32 $0x9;
	_ =	strace $0x80000051  }
0xc1: {  	_ =	swait.ge [sflag:s29], $0x1  }
0xc2: {  	[sflag:s29] =	ssyncadd.s32 $0xFFFFFFFF  }
0xc3: {  	_ =	strace $0x90000051  }
0xc4: {  	_ =	sfence  }
0xc5: {  	s30 =	sld [smem:$0x0];
	_ =	sdelay $0x2  }
0xc6: {  	s31 =	sshll.u32 s1, $0xD;
	s1 =	sshrl.u32 s1, $0x2  }
0xc7: {  	s4 =	sand.u32 $0x4000, s31;
	s1 =	sadd.s32 s1, s30  }
0xc8: {  	s0 =	sor.u32 s4, s0;
	s1 =	sshll.u32 s1, $0x11  }
0xc9: {  	s0 =	sor.u32 s1, s0  }
0xca: {  	s0 =	sadd.s32 $0x8F2B, s0  }
0xcb: {  	[sflag:s0] =	ssyncadd.remote.s32 $0x1  }
0xcc: {  	_ =	sfence.sel $0xFFFF  }
0xcd: {  	[dreg:$0x0] =	wrdreg $0xFFFFFFFF;
	(pc) =	sbr.abs _section_cstart, $3  }
0xce: {  	[dreg:$0x1] =	wrdreg $0xFFFFFFFF  }
0xcf: {  	_ =	task.clear_ibuf [dreg:s22], $0x2FFFF;
	_ =	strace $0x9FFFFFFF  }
0xd0: {  	(tm) =	ssettm $0x7FFFFFFF  }
0xd1: {  	_ =	shalt  }
tec
execute0_lowered:
.L_overlay_start_1:
0x0: {  	(tag) =	ssettag $0x1  }
0x1: {  	s0 =	srdreg.scid;
	s5 =	rddreg [dreg:$0x0]  }
0x2: {  	s1 =	stileid.u32;
	s6 =	simm.s32 $0x1;
	s9 =	simm.s32 $0x1  }
0x3: {  	s10 =	simm.s32 $0x3;
	s13 =	simm.s32 $0x0;
	s2 =	sshll.u32 s0, $0x7  }
0x4: {  	s12 =	simm.s32 $0x0;
	s3 =	sshll.u32 s1, $0x8;
	s2 =	sand.u32 $0x80, s2  }
0x5: {  	s0 =	rddreg [dreg:$0x1];
	_ =	strace $0x80000050;
	s2 =	sor.u32 s3, s2  }
0x6: {  	s4 =	sadd.s32 $0x2DE00, s5;
	[sflag:s6] =	ssyncpa.u1 $0x0;
	s8 =	ssub.s32 $0x28100, s2  }
.Ltmp0:
0x7: {  	s3 =	sadd.s32 $0x12000, s5;
	s7 =	sand.u32 $0xF80, s8;
	(pc) =	sbr.rel .LBB2_1-.Ltmp0, $4  }
0x8: {  	s5 =	sadd.s32 $0x38200, s5;
	s11 =	smov.u32 s2;
	p0 =	sne.s32 s7, $0x0  }
0x9: {  	s8 =	sshrl.u32 s8, $0xC;
	s7 =	simm.s32 $0x2;
	s9 =	simm.s32 @!p0 $0x0  }
0xa: {  	[sflag:s7] =	ssyncpa.u1 $0x0;
	p0 =	por $0x0, $0x0;
	s8 =	sadd.s32 s9, s8  }
0xb: {  	vm0 =	vmmov $0xffff;
	[sflag:s10] =	ssyncpa.u1 $0x0;
	s10 =	simm.s32 $0x0;
	s9 =	sadd.s32 $0x1, s8  }
.LBB2_4:
0xc: {  	v2 =	vnsel vm1, $0x0, v2  }
0xd: {  	vm1 =	vgt.s32 v0, $0x0;
	v2 =	vmin.u32 v2, $0x270FF  }
0xe: {  	v0 =	vnsel vm1, $0x0, v0  }
0xf: {  	v0 =	vmin.u32 v0, $0x270FF  }
0x10: {  	[tilespmem:s15], [sflag:$0x1] =	stream.indirect_vreg.gather [hbm4b:s3+s10], $0x1, v1, vm0, $0x4038;
	[tilespmem:$0x200] =	vst v63  }
0x11: {  	(ifvalue) =	ssetifvalue $0x7FFFFFFF  }
0x12: {  	[tilespmem:s16], [sflag:$0x1] =	stream.indirect_vreg.gather [hbm4b:s3+s10], $0x1, v2, vm0, $0x4038;
	[tilespmem:$0x200] =	vst v63  }
0x13: {  	s29 =	sadd.s32 $0x10, s16;
	(ifvalue) =	ssetifvalue $0x7FFFFFFF  }
0x14: {  	[tilespmem:s29], [sflag:$0x1] =	stream.indirect_vreg.gather [hbm4b:s3+s10], $0x1, v0, vm0, $0x4038;
	[tilespmem:$0x200] =	vst v63  }
0x15: {  	_ =	swait.ge [sflag:s6], $0x80  }
0x16: {  	s30 =	sshrl.u32 s13, $0x3;
	[sflag:s6] =	ssyncset.done $0x0  }
0x17: {  	s31 =	sand.u32 $0x7, s13;
	s15 =	sadd.s32 s5, s30;
	[sflag:s6] =	ssyncadd.s32 $0xFFFFFF80  }
0x18: {  	[hbm4b:s15+s31] =	stream.linear.scatter [tilespmem:s14], [sflag:$0x3], $0x80, $0x38;
	[tilespmem:$0x200] =	vst v63  }
.LBB2_5:
0x19: {  	s15 =	sadd.s32 $0x1000, s11  }
0x1a: {  	p2 =	sgt.s32 s15, $0x280FF  }
0x1b: {  	s15 =	smov.u32 @p2 s2;
	p2 =	sne.s32 s12, s9  }
.Ltmp1:
0x1c: {  	p1 =	slt.u32 s12, $0x2;
	(pc) =	sbr.rel @!p2 .LBB2_6-.Ltmp1, $4  }
0x1d: {  	s14 =	simm.s32 @!p1 $0x3  }
0x1e: {  	s16 =	sadd.s32 $0x1, s12;
	_ =	swait.ge @!p1 [sflag:s14], $0x80  }
0x1f: {  	s13 =	smov.u32 s11;
	p0 =	por !p0, !p0;
	[sflag:s14] =	ssyncset.done @!p1 $0x0  }
0x20: {  	s12 =	smov.u32 s16;
	s11 =	smov.u32 s15;
	[sflag:s14] =	ssyncadd.s32 @!p1 $0xFFFFFF80  }
.LBB2_1:
0x21: {  	p1 =	sge.u32 s12, s8  }
0x22: {  	s14 =	sxor.u32 @!p1 $0xFFFFFFFF, s12  }
0x23: {  	s31 =	sadd.s32 $0xFFFFFFFF, s12;
	s15 =	sshrl.u32 @!p1 s11, $0x3;
	s14 =	sshll.u32 @!p1 s14, $0x7  }
0x24: {  	s16 =	sand.u32 @!p1 $0x7, s11;
	s15 =	sadd.s32 @!p1 s4, s15;
	s14 =	sand.u32 @!p1 $0x80, s14  }
0x25: {  	[tilespmem:s14], [sflag:$0x2] =	stream.linear.gather @!p1 [hbm4b:s15+s16], $0x80, $0x38;
	[tilespmem:$0x200] =	vst v63  }
0x26: {  	p1 =	sge.u32 s31, s8  }
.Ltmp2:
0x27: {  	_ = 	snop;
	(pc) =	sbr.rel @p1 .LBB2_5-.Ltmp2, $1  }
0x28: {  	_ =	sdelay $0x3  }
0x29: {  	s14 =	simm.s32 $0x1  }
0x2a: {  	_ =	swait.ge [sflag:s7], $0x80;
	s14 =	simm.s32 @!p0 $0x0  }
0x2b: {  	[sflag:s7] =	ssyncset.done $0x0;
	s14 =	sshll.u32 s14, $0x7  }
0x2c: {  	[sflag:s7] =	ssyncadd.s32 $0xFFFFFF80;
	(ifvalue) =	ssetifvalue $0x7FFFFFFF;
	v0 =	vld.msk [tilespmem:s14+$0x0 ss:$0x1], $0xffff;
	_ =	sdelay $0x4  }
0x2d: {  	s15 =	sadd.s32 $0x10, s14;
	vm1 =	vgt.s32 v0, $0x0  }
0x2e: {  	v2 =	vld.msk [tilespmem:s15+$0x0 ss:$0x1], $0xffff;
	v1 =	vnsel vm1, $0x0, v0  }
0x2f: {  	v1 =	vmin.u32 v1, $0x270FF;
	_ =	sdelay $0x1  }
0x30: {  	s16 =	sshll.u32 s12, $0x7;
	s18 =	simm.s32 $0x20  }
0x31: {  	s16 =	sand.u32 $0x80, s16;
	s17 =	sadd.s32 $0x10, s15;
	s15 =	sor.u32 $0x100, s14  }
0x32: {  	s14 =	sor.u32 $0x100, s16;
	s16 =	sadd.s32 $0x10, s15;
	v0 =	vld.msk [tilespmem:s17+$0x0 ss:$0x1], $0xffff;
	vm1 =	vgt.s32 v2, $0x0;
	(ifvalue) =	ssetifvalue $0x7FFFFFFF  }
.LBB2_3:
0x33: {  	[tilespmem:s15], [sflag:$0x1] =	stream.indirect_vreg.gather [hbm4b:s3+s10], $0x1, v1, vm0, $0x4038;
	[tilespmem:$0x200] =	vst v63  }
0x34: {  	s18 =	sadd.s32 $0x10, s18  }
0x35: {  	v2 =	vnsel vm1, $0x0, v2;
	p1 =	slt.u32 s18, $0x70  }
.Ltmp3:
0x36: {  	s15 =	smov.u32 s16;
	v1 =	vmin.u32 v2, $0x270FF;
	(pc) =	sbr.rel @p1 .LBB2_3-.Ltmp3, $3  }
0x37: {  	_ =	sdelay $0x1  }
0x38: {  	s17 =	sadd.s32 $0x10, s17  }
0x39: {  	vm1 =	vgt.s32 v0, $0x0;
	s16 =	sadd.s32 $0x10, s16;
	v2 =	vmov v0;
	(ifvalue) =	ssetifvalue $0x7FFFFFFF;
	v0 =	vld.msk [tilespmem:s17+$0x0 ss:$0x1], $0xffff  }
.Ltmp4:
0x3a: {  	_ = 	snop;
	(pc) =	sbr.rel .LBB2_4-.Ltmp4, $1  }
0x3b: {  	_ =	sdelay $0x3  }
.LBB2_6:
0x3c: {  	_ =	sfence.sel $0x180000  }
0x3d: {  	s2 =	simm.s32 $0x2;
	[bflag:$0x0] =	sbarrier.arrive $0xFFFF  }
0x3e: {  	s30 =	simm.s32 $0x3;
	[sflag:s2] =	ssyncpa.u1 $0x1  }
0x3f: {  	s31 =	simm.s32 $0x1;
	[sflag:s30] =	ssyncpa.u1 $0x1  }
0x40: {  	[sflag:s31] =	ssyncpa.u1 $0x1  }
0x41: {  	p0 =	sne.s32 s1, $0x0;
	_ =	strace $0x90000050  }
0x42: {  	s0 =	sadd.s32 @!p0 $0x100000, s0;
	[bflag:$0x2] =	sbarrier.arrive $0xFFFF  }
0x43: {  	[sflag:s0] =	ssyncadd.tile.s32 @!p0 $0x1;
	_ =	shalt  }
.Lfunc_end2:
_tile_overlayer_lowered:
.L_overlay_start_2:
0x44: {  	(tag) =	ssettag $0x2  }
0x45: {  	s0 =	rddreg [dreg:$0x0];
	s2 =	stileid.u32  }
0x46: {  	s1 =	rddreg [dreg:$0x1];
	p0 =	sne.s32 s2, $0x0  }
0x47: {  	s3 =	rddreg [dreg:$0x2];
	[bflag:$0x3] =	sbarrier.arrive $0xFFFF;
	s2 =	simm.s32 @!p0 $0x1C01  }
0x48: {  	[timem:s3], [sflag:s2] =	dma.local @!p0 [hbm:s0], s1  }
0x49: {  	s0 =	simm.s32 @!p0 $0x1  }
0x4a: {  	_ =	swait.ge @!p0 [sflag:s0], s1  }
0x4b: {  	s1 =	ssub.s32 @!p0 $0x0, s1;
	[sflag:s0] =	ssyncset.done @!p0 $0x0  }
0x4c: {  	[sflag:s0] =	ssyncadd.s32 @!p0 s1  }
0x4d: {  	[bflag:$0x3] =	sbarrier.arrive $0xFFFF  }
0x4e: {  	_ =	shalt  }

// kernel: gather_offload_async_start.3
scs
__scs_entry_jumppad:
0x0: {  	(pc) =	sbr.rel $0x88, $3  }
0x1: {  	(tag) =	ssettag $0x0;
	lr =	simm.s32 $0x1  }
0x2: {  	[smem:$0x3F9D] =	sst lr;
	_ =	strace $0xD0000000  }
0x3: {  	_ = 	snop  }
0x4: {  	_ = 	snop  }
0x5: {  	_ = 	snop  }
0x6: {  	_ = 	snop  }
0x7: {  	_ = 	snop  }
__scs_overlays_trampoline_lowered:
0x8: {  	[smem:$0x3FAC] =	sst s0  }
0x9: {  	[smem:$0x3FAD] =	sst s1  }
0xa: {  	[smem:$0x3FAE] =	sst s2  }
0xb: {  	[smem:$0x3FAF] =	sst s3  }
0xc: {  	[smem:$0x3FB0] =	sst s4  }
0xd: {  	[smem:$0x3FB1] =	sst s5  }
0xe: {  	[smem:$0x3FB2] =	sst s6  }
0xf: {  	[smem:$0x3FB3] =	sst s7  }
0x10: {  	[smem:$0x3FB4] =	sst s8  }
0x11: {  	[smem:$0x3FB5] =	sst s9;
	s0 =	simm.s32 @!p0 $0x0  }
0x12: {  	s1 =	sld [smem:$0x3F9B];
	s0 =	simm.s32 @p0 $0x1  }
0x13: {  	[smem:$0x3FB6] =	sst s0;
	s0 =	simm.s32 @!p1 $0x0  }
0x14: {  	s2 =	sld [smem:$0x3F9A];
	s0 =	simm.s32 @p1 $0x1  }
0x15: {  	[smem:$0x3FB7] =	sst s0;
	s0 =	simm.s32 @!p2 $0x0  }
0x16: {  	s3 =	sld [smem:$0x3FDB];
	s0 =	simm.s32 @p2 $0x1  }
0x17: {  	s4 =	simm.s32 $0x1BF5;
	[smem:$0x3FB9] =	sst s0  }
0x18: {  	s0 =	sld [smem:$0x3F9C];
	_ =	swait.ge [sflag:s4], $0x0  }
0x19: {  	s7 =	sld [smem:$0x3F9D]  }
0x1a: {  	s8 =	sadd.s32 $0xFFFFE003, lr  }
0x1b: {  	s9 =	sadd.s32 $0xFFFFFEF7, lr;
	s5 =	simm.s32 $0xFFFFFFFF;
	p2 =	slt.u32 s8, $0xFFFFF086  }
0x1c: {  	p1 =	slt.u32 s9, $0xF7A;
	s5 =	simm.s32 @!p2 $0x0  }
0x1d: {  	s5 =	simm.s32 @p1 $0x1;
	p0 =	seq.s32 s7, s2  }
0x1e: {  	s7 =	smul.u32 @!p0 $0xF7A, s2;
	p2 =	seq.s32 @!p0 s5, $0x0  }
0x1f: {  	s9 =	smul.u32 $0xF7A, s1;
	s8 =	simm.s32 @!p0 $0x1BF5;
	p2 =	por !p2, p0  }
0x20: {  	[sflag:s8] =	ssyncset.s32 @!p0 $0xFFFFF086;
	s6 =	sadd.s32 @!p0 s3, s7;
	s7 =	simm.s32 @!p0 $0x108  }
0x21: {  	s3 =	sadd.s32 s3, s9;
	s6 =	sadd.s32 @!p0 $0x88, s6;
	s7 =	simm.s32 @p2 $0x1082  }
0x22: {  	[simem:s7], [sflag:s8] =	dma.local @!p0 [hbm:s6], $0xF7A  }
0x23: {  	s9 =	sor.u32 $0xD0000000, s2;
	s6 =	simm.s32 $0x108;
	_ =	swait.ge @!p0 [sflag:s8], $0x0  }
0x24: {  	s3 =	sadd.s32 $0x88, s3;
	s6 =	simm.s32 @!p1 $0x1082;
	[sflag:s4] =	ssyncset.s32 $0xFFFFF086  }
0x25: {  	[simem:s6], [sflag:s4] =	dma.local [hbm:s3], $0xF7A  }
0x26: {  	[smem:$0x3F9D] =	sst s1;
	(tag) =	ssettag s2;
	_ =	strace s9  }
0x27: {  	s1 =	sld [smem:$0x3FAD]  }
0x28: {  	s2 =	sld [smem:$0x3FAE]  }
0x29: {  	s4 =	sld [smem:$0x3FB0]  }
0x2a: {  	p0 =	seq.s32 s5, $0x0;
	s5 =	sld [smem:$0x3FB1]  }
0x2b: {  	s6 =	sld [smem:$0x3FB2]  }
0x2c: {  	s7 =	sld [smem:$0x3FB3]  }
0x2d: {  	s3 =	simm.s32 $0x108;
	s8 =	sld [smem:$0x3FB4]  }
0x2e: {  	s3 =	simm.s32 @!p0 $0x1082;
	s9 =	sld [smem:$0x3FB5]  }
0x2f: {  	lr =	sadd.s32 s0, s3;
	s0 =	sld [smem:$0x3FAC]  }
0x30: {  	s3 =	sld [smem:$0x3FAF]  }
0x31: {  	[smem:$0x3FB8] =	sst s10  }
0x32: {  	s10 =	sld [smem:$0x3FB6];
	_ =	sdelay $0x3  }
0x33: {  	p0 =	seq.s32 s10, $0x1;
	s10 =	sld [smem:$0x3FB8];
	_ =	sdelay $0x3  }
0x34: {  	[smem:$0x3FB8] =	sst s10  }
0x35: {  	s10 =	sld [smem:$0x3FB7];
	_ =	sdelay $0x3  }
0x36: {  	p1 =	seq.s32 s10, $0x1;
	s10 =	sld [smem:$0x3FB8];
	_ =	sdelay $0x3  }
0x37: {  	[smem:$0x3FB8] =	sst s10  }
0x38: {  	s10 =	sld [smem:$0x3FB9]  }
0x39: {  	_ = 	snop;
	(pc) =	sbr.ind lr, $3  }
0x3a: {  	_ = 	snop  }
0x3b: {  	_ = 	snop  }
0x3c: {  	p2 =	seq.s32 s10, $0x1;
	s10 =	sld [smem:$0x3FB8]  }
0x3d: {  	_ =	shalt  }
0x3e: {  	_ =	shalt  }
0x3f: {  	_ =	shalt  }
0x40: {  	_ =	shalt  }
0x41: {  	_ =	shalt  }
0x42: {  	_ =	shalt  }
0x43: {  	_ =	shalt  }
0x44: {  	_ =	shalt  }
0x45: {  	_ =	shalt  }
0x46: {  	_ =	shalt  }
0x47: {  	_ =	shalt  }
0x48: {  	_ =	shalt  }
0x49: {  	_ =	shalt  }
0x4a: {  	_ =	shalt  }
0x4b: {  	_ =	shalt  }
0x4c: {  	_ =	shalt  }
0x4d: {  	_ =	shalt  }
0x4e: {  	_ =	shalt  }
0x4f: {  	_ =	shalt  }
0x50: {  	_ =	shalt  }
0x51: {  	_ =	shalt  }
0x52: {  	_ =	shalt  }
0x53: {  	_ =	shalt  }
0x54: {  	_ =	shalt  }
0x55: {  	_ =	shalt  }
0x56: {  	_ =	shalt  }
0x57: {  	_ =	shalt  }
0x58: {  	_ =	shalt  }
0x59: {  	_ =	shalt  }
0x5a: {  	_ =	shalt  }
0x5b: {  	_ =	shalt  }
0x5c: {  	_ =	shalt  }
0x5d: {  	_ =	shalt  }
0x5e: {  	_ =	shalt  }
0x5f: {  	_ =	shalt  }
0x60: {  	_ =	shalt  }
0x61: {  	_ =	shalt  }
0x62: {  	_ =	shalt  }
0x63: {  	_ =	shalt  }
0x64: {  	_ =	shalt  }
0x65: {  	_ =	shalt  }
0x66: {  	_ =	shalt  }
0x67: {  	_ =	shalt  }
0x68: {  	_ =	shalt  }
0x69: {  	_ =	shalt  }
0x6a: {  	_ =	shalt  }
0x6b: {  	_ =	shalt  }
0x6c: {  	_ =	shalt  }
0x6d: {  	_ =	shalt  }
0x6e: {  	_ =	shalt  }
0x6f: {  	_ =	shalt  }
0x70: {  	_ =	shalt  }
0x71: {  	_ =	shalt  }
0x72: {  	_ =	shalt  }
0x73: {  	_ =	shalt  }
0x74: {  	_ =	shalt  }
0x75: {  	_ =	shalt  }
0x76: {  	_ =	shalt  }
0x77: {  	_ =	shalt  }
0x78: {  	_ =	shalt  }
0x79: {  	_ =	shalt  }
0x7a: {  	_ =	shalt  }
0x7b: {  	_ =	shalt  }
0x7c: {  	_ =	shalt  }
0x7d: {  	_ =	shalt  }
0x7e: {  	_ =	shalt  }
0x7f: {  	_ =	shalt  }
0x80: {  	_ =	shalt  }
0x81: {  	_ =	shalt  }
0x82: {  	_ =	shalt  }
0x83: {  	_ =	shalt  }
0x84: {  	_ =	shalt  }
0x85: {  	_ =	shalt  }
0x86: {  	_ =	shalt  }
0x87: {  	_ =	shalt  }
.Lfunc_end0:
.L_simem_size_0:
called_computation.3_lowered:
.L_overlay_start_0:
0x88: {  	s2 =	sld [smem:$0x3FD9]  }
0x89: {  	s3 =	sld [smem:$0x3FFE];
	_ =	sdelay $0x1  }
0x8a: {  	s1 =	srdreg.scid  }
0x8b: {  	s0 =	sand.u32 $0x1, s1  }
0x8c: {  	s16 =	sshll.u32 s0, $0xA;
	s2 =	sadd.s32 s3, s2  }
0x8d: {  	s2 =	sadd.s32 s2, s16  }
0x8e: {  	[smem:$0x3FC4] =	sst s2  }
0x8f: {  	_ = 	snop  }
0x90: {  	(tm) =	ssettm $0x1  }
0x91: {  	s17 =	sld [smem:$0x3FFB];
	_ =	sdelay $0x3  }
0x92: {  	_ =	strace s17  }
0x93: {  	s2 =	sld [smem:$0x3FFC];
	_ =	sdelay $0x3  }
0x94: {  	_ =	strace s2  }
0x95: {  	s2 =	sld [smem:$0x3FFD];
	_ =	sdelay $0x3  }
0x96: {  	_ =	strace s2  }
0x97: {  	_ =	strace $0x8FFFFFFF  }
0x98: {  	s18 =	sld [smem:$0x3FDB];
	_ =	sdelay $0x1  }
0x99: {  	s19 =	simm.s32 $_scs_section_size  }
0x9a: {  	s4 =	simm.s32 $_size__tile_overlayer_lowered;
	s5 =	simm.s32 $_tile_overlayer_lowered  }
0x9b: {  	s22 =	simm.s32 $0x1BFF;
	s21 =	sshll.u32 s5, $0x1;
	s2 =	sadd.s32 s19, s18  }
0x9c: {  	s6 =	simm.s32 $0x0;
	s20 =	sshll.u32 s4, $0x1;
	s4 =	sadd.s32 s21, s2  }
0x9d: {  	[timem:s6], [sflag:s22] =	dma.local [hbm:s4], s20  }
0x9e: {  	_ =	swait.ge [sflag:s22], s20  }
0x9f: {  	s3 =	ssub.s32 $0x0, s20;
	[sflag:s22] =	ssyncset.done $0x0  }
0xa0: {  	[sflag:s22] =	ssyncadd.s32 s3;
	_ =	sdelay $0x1  }
0xa1: {  	s23 =	simm.s32 $0x1B8B  }
0xa2: {  	_ =	swait.ge [sflag:s23], $0x1  }
0xa3: {  	[sflag:s23] =	ssyncset.done $0x0  }
0xa4: {  	s25 =	simm.s32 $0x1B8E;
	s24 =	sld [smem:$0x3FFE];
	[sflag:s23] =	ssyncadd.s32 $0xFFFFFFFF  }
0xa5: {  	s26 =	simm.s32 $execute0_lowered;
	[smem:$0x3FD2] =	sst s25  }
0xa6: {  	s4 =	sshll.u32 s26, $0x1;
	_ =	strace $0x8000004C;
	[dreg:$0x1] =	wrdreg $0xFFFFFFFF  }
0xa7: {  	s28 =	simm.s32 $_size_execute0_lowered;
	s2 =	sadd.s32 s2, s4;
	[dreg:$0x0] =	wrdreg $0x0  }
0xa8: {  	s4 =	sshll.u32 s28, $0x1;
	[dreg:$0x2] =	wrdreg s2  }
0xa9: {  	[dreg:$0x3] =	wrdreg s4  }
0xaa: {  	[dreg:$0x4] =	wrdreg $0xC0  }
0xab: {  	_ =	task [dreg:s6], $0x5FFFF  }
0xac: {  	[dreg:$0x1] =	wrdreg $0xFFFFFFFF  }
0xad: {  	[dreg:$0x0] =	wrdreg $0x60  }
0xae: {  	[dreg:$0x2] =	wrdreg s24  }
0xaf: {  	[dreg:$0x3] =	wrdreg $0xA  }
0xb0: {  	_ =	task.clear_ibuf [dreg:s6], $0x4FFFF;
	_ =	strace $0x9000004C  }
0xb1: {  	s29 =	simm.s32 $0xA;
	_ =	strace $0x8000004E  }
0xb2: {  	_ =	swait.ge [sflag:s29], $0x1  }
0xb3: {  	[sflag:s29] =	ssyncadd.s32 $0xFFFFFFFF  }
0xb4: {  	_ =	strace $0x9000004E  }
0xb5: {  	_ =	sfence  }
0xb6: {  	s30 =	sld [smem:$0x0];
	_ =	sdelay $0x2  }
0xb7: {  	s31 =	sshll.u32 s1, $0xD;
	s1 =	sshrl.u32 s1, $0x2  }
0xb8: {  	s3 =	sand.u32 $0x4000, s31;
	s1 =	sadd.s32 s1, s30  }
0xb9: {  	s0 =	sor.u32 s3, s0;
	s1 =	sshll.u32 s1, $0x11  }
0xba: {  	s0 =	sor.u32 s1, s0  }
0xbb: {  	s0 =	sadd.s32 $0x8F2B, s0  }
0xbc: {  	[sflag:s0] =	ssyncadd.remote.s32 $0x1  }
0xbd: {  	_ =	sfence.sel $0xFFFF  }
0xbe: {  	[dreg:$0x0] =	wrdreg $0xFFFFFFFF;
	(pc) =	sbr.abs _section_cstart, $3  }
0xbf: {  	[dreg:$0x1] =	wrdreg $0xFFFFFFFF  }
0xc0: {  	_ =	task.clear_ibuf [dreg:s6], $0x2FFFF;
	_ =	strace $0x9FFFFFFF  }
0xc1: {  	(tm) =	ssettm $0x7FFFFFFF  }
tec
execute0_lowered:
.L_overlay_start_1:
0x0: {  	(tag) =	ssettag $0x1  }
0x1: {  	s0 =	srdreg.scid;
	s5 =	rddreg [dreg:$0x0]  }
0x2: {  	s1 =	stileid.u32;
	s6 =	simm.s32 $0x1;
	s9 =	simm.s32 $0x1  }
0x3: {  	s10 =	simm.s32 $0x3;
	s13 =	simm.s32 $0x0;
	s2 =	sshll.u32 s0, $0x7  }
0x4: {  	s12 =	simm.s32 $0x0;
	s3 =	sshll.u32 s1, $0x8;
	s2 =	sand.u32 $0x80, s2  }
0x5: {  	s0 =	rddreg [dreg:$0x1];
	_ =	strace $0x8000004D;
	s2 =	sor.u32 s3, s2  }
0x6: {  	s4 =	sadd.s32 $0x2DE00, s5;
	[sflag:s6] =	ssyncpa.u1 $0x0;
	s8 =	ssub.s32 $0x28100, s2  }
.Ltmp0:
0x7: {  	s3 =	sadd.s32 $0x17000, s5;
	s7 =	sand.u32 $0xF80, s8;
	(pc) =	sbr.rel .LBB2_1-.Ltmp0, $4  }
0x8: {  	s5 =	sadd.s32 $0x33000, s5;
	s11 =	smov.u32 s2;
	p0 =	sne.s32 s7, $0x0  }
0x9: {  	s8 =	sshrl.u32 s8, $0xC;
	s7 =	simm.s32 $0x2;
	s9 =	simm.s32 @!p0 $0x0  }
0xa: {  	[sflag:s7] =	ssyncpa.u1 $0x0;
	p0 =	por $0x0, $0x0;
	s8 =	sadd.s32 s9, s8  }
0xb: {  	vm0 =	vmmov $0xffff;
	[sflag:s10] =	ssyncpa.u1 $0x0;
	s10 =	simm.s32 $0x0;
	s9 =	sadd.s32 $0x1, s8  }
.LBB2_4:
0xc: {  	v2 =	vnsel vm1, $0x0, v2  }
0xd: {  	vm1 =	vgt.s32 v0, $0x0;
	v2 =	vmin.u32 v2, $0x270FF  }
0xe: {  	v0 =	vnsel vm1, $0x0, v0  }
0xf: {  	v0 =	vmin.u32 v0, $0x270FF  }
0x10: {  	[tilespmem:s15], [sflag:$0x1] =	stream.indirect_vreg.gather [hbm4b:s3+s10], $0x1, v1, vm0, $0x4038;
	[tilespmem:$0x200] =	vst v63  }
0x11: {  	(ifvalue) =	ssetifvalue $0x7FFFFFFF  }
0x12: {  	[tilespmem:s16], [sflag:$0x1] =	stream.indirect_vreg.gather [hbm4b:s3+s10], $0x1, v2, vm0, $0x4038;
	[tilespmem:$0x200] =	vst v63  }
0x13: {  	s29 =	sadd.s32 $0x10, s16;
	(ifvalue) =	ssetifvalue $0x7FFFFFFF  }
0x14: {  	[tilespmem:s29], [sflag:$0x1] =	stream.indirect_vreg.gather [hbm4b:s3+s10], $0x1, v0, vm0, $0x4038;
	[tilespmem:$0x200] =	vst v63  }
0x15: {  	_ =	swait.ge [sflag:s6], $0x80  }
0x16: {  	s30 =	sshrl.u32 s13, $0x3;
	[sflag:s6] =	ssyncset.done $0x0  }
0x17: {  	s31 =	sand.u32 $0x7, s13;
	s15 =	sadd.s32 s5, s30;
	[sflag:s6] =	ssyncadd.s32 $0xFFFFFF80  }
0x18: {  	[hbm4b:s15+s31] =	stream.linear.scatter [tilespmem:s14], [sflag:$0x3], $0x80, $0x38;
	[tilespmem:$0x200] =	vst v63  }
.LBB2_5:
0x19: {  	s15 =	sadd.s32 $0x1000, s11  }
0x1a: {  	p2 =	sgt.s32 s15, $0x280FF  }
0x1b: {  	s15 =	smov.u32 @p2 s2;
	p2 =	sne.s32 s12, s9  }
.Ltmp1:
0x1c: {  	p1 =	slt.u32 s12, $0x2;
	(pc) =	sbr.rel @!p2 .LBB2_6-.Ltmp1, $4  }
0x1d: {  	s14 =	simm.s32 @!p1 $0x3  }
0x1e: {  	s16 =	sadd.s32 $0x1, s12;
	_ =	swait.ge @!p1 [sflag:s14], $0x80  }
0x1f: {  	s13 =	smov.u32 s11;
	p0 =	por !p0, !p0;
	[sflag:s14] =	ssyncset.done @!p1 $0x0  }
0x20: {  	s12 =	smov.u32 s16;
	s11 =	smov.u32 s15;
	[sflag:s14] =	ssyncadd.s32 @!p1 $0xFFFFFF80  }
.LBB2_1:
0x21: {  	p1 =	sge.u32 s12, s8  }
0x22: {  	s14 =	sxor.u32 @!p1 $0xFFFFFFFF, s12  }
0x23: {  	s31 =	sadd.s32 $0xFFFFFFFF, s12;
	s15 =	sshrl.u32 @!p1 s11, $0x3;
	s14 =	sshll.u32 @!p1 s14, $0x7  }
0x24: {  	s16 =	sand.u32 @!p1 $0x7, s11;
	s15 =	sadd.s32 @!p1 s4, s15;
	s14 =	sand.u32 @!p1 $0x80, s14  }
0x25: {  	[tilespmem:s14], [sflag:$0x2] =	stream.linear.gather @!p1 [hbm4b:s15+s16], $0x80, $0x38;
	[tilespmem:$0x200] =	vst v63  }
0x26: {  	p1 =	sge.u32 s31, s8  }
.Ltmp2:
0x27: {  	_ = 	snop;
	(pc) =	sbr.rel @p1 .LBB2_5-.Ltmp2, $1  }
0x28: {  	_ =	sdelay $0x3  }
0x29: {  	s14 =	simm.s32 $0x1  }
0x2a: {  	_ =	swait.ge [sflag:s7], $0x80;
	s14 =	simm.s32 @!p0 $0x0  }
0x2b: {  	[sflag:s7] =	ssyncset.done $0x0;
	s14 =	sshll.u32 s14, $0x7  }
0x2c: {  	[sflag:s7] =	ssyncadd.s32 $0xFFFFFF80;
	(ifvalue) =	ssetifvalue $0x7FFFFFFF;
	v0 =	vld.msk [tilespmem:s14+$0x0 ss:$0x1], $0xffff;
	_ =	sdelay $0x4  }
0x2d: {  	s15 =	sadd.s32 $0x10, s14;
	vm1 =	vgt.s32 v0, $0x0  }
0x2e: {  	v2 =	vld.msk [tilespmem:s15+$0x0 ss:$0x1], $0xffff;
	v1 =	vnsel vm1, $0x0, v0  }
0x2f: {  	v1 =	vmin.u32 v1, $0x270FF;
	_ =	sdelay $0x1  }
0x30: {  	s16 =	sshll.u32 s12, $0x7;
	s18 =	simm.s32 $0x20  }
0x31: {  	s16 =	sand.u32 $0x80, s16;
	s17 =	sadd.s32 $0x10, s15;
	s15 =	sor.u32 $0x100, s14  }
0x32: {  	s14 =	sor.u32 $0x100, s16;
	s16 =	sadd.s32 $0x10, s15;
	v0 =	vld.msk [tilespmem:s17+$0x0 ss:$0x1], $0xffff;
	vm1 =	vgt.s32 v2, $0x0;
	(ifvalue) =	ssetifvalue $0x7FFFFFFF  }
.LBB2_3:
0x33: {  	[tilespmem:s15], [sflag:$0x1] =	stream.indirect_vreg.gather [hbm4b:s3+s10], $0x1, v1, vm0, $0x4038;
	[tilespmem:$0x200] =	vst v63  }
0x34: {  	s18 =	sadd.s32 $0x10, s18  }
0x35: {  	v2 =	vnsel vm1, $0x0, v2;
	p1 =	slt.u32 s18, $0x70  }
.Ltmp3:
0x36: {  	s15 =	smov.u32 s16;
	v1 =	vmin.u32 v2, $0x270FF;
	(pc) =	sbr.rel @p1 .LBB2_3-.Ltmp3, $3  }
0x37: {  	_ =	sdelay $0x1  }
0x38: {  	s17 =	sadd.s32 $0x10, s17  }
0x39: {  	vm1 =	vgt.s32 v0, $0x0;
	s16 =	sadd.s32 $0x10, s16;
	v2 =	vmov v0;
	(ifvalue) =	ssetifvalue $0x7FFFFFFF;
	v0 =	vld.msk [tilespmem:s17+$0x0 ss:$0x1], $0xffff  }
.Ltmp4:
0x3a: {  	_ = 	snop;
	(pc) =	sbr.rel .LBB2_4-.Ltmp4, $1  }
0x3b: {  	_ =	sdelay $0x3  }
.LBB2_6:
0x3c: {  	_ =	sfence.sel $0x180000  }
0x3d: {  	s2 =	simm.s32 $0x2;
	[bflag:$0x0] =	sbarrier.arrive $0xFFFF  }
0x3e: {  	s30 =	simm.s32 $0x3;
	[sflag:s2] =	ssyncpa.u1 $0x1  }
0x3f: {  	s31 =	simm.s32 $0x1;
	[sflag:s30] =	ssyncpa.u1 $0x1  }
0x40: {  	[sflag:s31] =	ssyncpa.u1 $0x1  }
0x41: {  	p0 =	sne.s32 s1, $0x0;
	_ =	strace $0x9000004D  }
0x42: {  	s0 =	sadd.s32 @!p0 $0x100000, s0;
	[bflag:$0x2] =	sbarrier.arrive $0xFFFF  }
0x43: {  	[sflag:s0] =	ssyncadd.tile.s32 @!p0 $0x1;
	_ =	shalt  }
.Lfunc_end2:
_tile_overlayer_lowered:
.L_overlay_start_2:
0x44: {  	(tag) =	ssettag $0x2  }
0x45: {  	s0 =	rddreg [dreg:$0x0];
	s2 =	stileid.u32  }
0x46: {  	s1 =	rddreg [dreg:$0x1];
	p0 =	sne.s32 s2, $0x0  }
0x47: {  	s3 =	rddreg [dreg:$0x2];
	[bflag:$0x3] =	sbarrier.arrive $0xFFFF;
	s2 =	simm.s32 @!p0 $0x1C01  }
0x48: {  	[timem:s3], [sflag:s2] =	dma.local @!p0 [hbm:s0], s1  }
0x49: {  	s0 =	simm.s32 @!p0 $0x1  }
0x4a: {  	_ =	swait.ge @!p0 [sflag:s0], s1  }
0x4b: {  	s1 =	ssub.s32 @!p0 $0x0, s1;
	[sflag:s0] =	ssyncset.done @!p0 $0x0  }
0x4c: {  	[sflag:s0] =	ssyncadd.s32 @!p0 s1  }
0x4d: {  	[bflag:$0x3] =	sbarrier.arrive $0xFFFF  }
0x4e: {  	_ =	shalt  }

// kernel: gather_offload_async_start.4
scs
__scs_entry_jumppad:
0x0: {  	(pc) =	sbr.rel $0x88, $3  }
0x1: {  	(tag) =	ssettag $0x0;
	lr =	simm.s32 $0x1  }
0x2: {  	[smem:$0x3F9D] =	sst lr;
	_ =	strace $0xD0000000  }
0x3: {  	_ = 	snop  }
0x4: {  	_ = 	snop  }
0x5: {  	_ = 	snop  }
0x6: {  	_ = 	snop  }
0x7: {  	_ = 	snop  }
__scs_overlays_trampoline_lowered:
0x8: {  	[smem:$0x3FAC] =	sst s0  }
0x9: {  	[smem:$0x3FAD] =	sst s1  }
0xa: {  	[smem:$0x3FAE] =	sst s2  }
0xb: {  	[smem:$0x3FAF] =	sst s3  }
0xc: {  	[smem:$0x3FB0] =	sst s4  }
0xd: {  	[smem:$0x3FB1] =	sst s5  }
0xe: {  	[smem:$0x3FB2] =	sst s6  }
0xf: {  	[smem:$0x3FB3] =	sst s7  }
0x10: {  	[smem:$0x3FB4] =	sst s8  }
0x11: {  	[smem:$0x3FB5] =	sst s9;
	s0 =	simm.s32 @!p0 $0x0  }
0x12: {  	s1 =	sld [smem:$0x3F9B];
	s0 =	simm.s32 @p0 $0x1  }
0x13: {  	[smem:$0x3FB6] =	sst s0;
	s0 =	simm.s32 @!p1 $0x0  }
0x14: {  	s2 =	sld [smem:$0x3F9A];
	s0 =	simm.s32 @p1 $0x1  }
0x15: {  	[smem:$0x3FB7] =	sst s0;
	s0 =	simm.s32 @!p2 $0x0  }
0x16: {  	s3 =	sld [smem:$0x3FDB];
	s0 =	simm.s32 @p2 $0x1  }
0x17: {  	s4 =	simm.s32 $0x1BF5;
	[smem:$0x3FB9] =	sst s0  }
0x18: {  	s0 =	sld [smem:$0x3F9C];
	_ =	swait.ge [sflag:s4], $0x0  }
0x19: {  	s7 =	sld [smem:$0x3F9D]  }
0x1a: {  	s8 =	sadd.s32 $0xFFFFE003, lr  }
0x1b: {  	s9 =	sadd.s32 $0xFFFFFEF7, lr;
	s5 =	simm.s32 $0xFFFFFFFF;
	p2 =	slt.u32 s8, $0xFFFFF086  }
0x1c: {  	p1 =	slt.u32 s9, $0xF7A;
	s5 =	simm.s32 @!p2 $0x0  }
0x1d: {  	s5 =	simm.s32 @p1 $0x1;
	p0 =	seq.s32 s7, s2  }
0x1e: {  	s7 =	smul.u32 @!p0 $0xF7A, s2;
	p2 =	seq.s32 @!p0 s5, $0x0  }
0x1f: {  	s9 =	smul.u32 $0xF7A, s1;
	s8 =	simm.s32 @!p0 $0x1BF5;
	p2 =	por !p2, p0  }
0x20: {  	[sflag:s8] =	ssyncset.s32 @!p0 $0xFFFFF086;
	s6 =	sadd.s32 @!p0 s3, s7;
	s7 =	simm.s32 @!p0 $0x108  }
0x21: {  	s3 =	sadd.s32 s3, s9;
	s6 =	sadd.s32 @!p0 $0x88, s6;
	s7 =	simm.s32 @p2 $0x1082  }
0x22: {  	[simem:s7], [sflag:s8] =	dma.local @!p0 [hbm:s6], $0xF7A  }
0x23: {  	s9 =	sor.u32 $0xD0000000, s2;
	s6 =	simm.s32 $0x108;
	_ =	swait.ge @!p0 [sflag:s8], $0x0  }
0x24: {  	s3 =	sadd.s32 $0x88, s3;
	s6 =	simm.s32 @!p1 $0x1082;
	[sflag:s4] =	ssyncset.s32 $0xFFFFF086  }
0x25: {  	[simem:s6], [sflag:s4] =	dma.local [hbm:s3], $0xF7A  }
0x26: {  	[smem:$0x3F9D] =	sst s1;
	(tag) =	ssettag s2;
	_ =	strace s9  }
0x27: {  	s1 =	sld [smem:$0x3FAD]  }
0x28: {  	s2 =	sld [smem:$0x3FAE]  }
0x29: {  	s4 =	sld [smem:$0x3FB0]  }
0x2a: {  	p0 =	seq.s32 s5, $0x0;
	s5 =	sld [smem:$0x3FB1]  }
0x2b: {  	s6 =	sld [smem:$0x3FB2]  }
0x2c: {  	s7 =	sld [smem:$0x3FB3]  }
0x2d: {  	s3 =	simm.s32 $0x108;
	s8 =	sld [smem:$0x3FB4]  }
0x2e: {  	s3 =	simm.s32 @!p0 $0x1082;
	s9 =	sld [smem:$0x3FB5]  }
0x2f: {  	lr =	sadd.s32 s0, s3;
	s0 =	sld [smem:$0x3FAC]  }
0x30: {  	s3 =	sld [smem:$0x3FAF]  }
0x31: {  	[smem:$0x3FB8] =	sst s10  }
0x32: {  	s10 =	sld [smem:$0x3FB6];
	_ =	sdelay $0x3  }
0x33: {  	p0 =	seq.s32 s10, $0x1;
	s10 =	sld [smem:$0x3FB8];
	_ =	sdelay $0x3  }
0x34: {  	[smem:$0x3FB8] =	sst s10  }
0x35: {  	s10 =	sld [smem:$0x3FB7];
	_ =	sdelay $0x3  }
0x36: {  	p1 =	seq.s32 s10, $0x1;
	s10 =	sld [smem:$0x3FB8];
	_ =	sdelay $0x3  }
0x37: {  	[smem:$0x3FB8] =	sst s10  }
0x38: {  	s10 =	sld [smem:$0x3FB9]  }
0x39: {  	_ = 	snop;
	(pc) =	sbr.ind lr, $3  }
0x3a: {  	_ = 	snop  }
0x3b: {  	_ = 	snop  }
0x3c: {  	p2 =	seq.s32 s10, $0x1;
	s10 =	sld [smem:$0x3FB8]  }
0x3d: {  	_ =	shalt  }
0x3e: {  	_ =	shalt  }
0x3f: {  	_ =	shalt  }
0x40: {  	_ =	shalt  }
0x41: {  	_ =	shalt  }
0x42: {  	_ =	shalt  }
0x43: {  	_ =	shalt  }
0x44: {  	_ =	shalt  }
0x45: {  	_ =	shalt  }
0x46: {  	_ =	shalt  }
0x47: {  	_ =	shalt  }
0x48: {  	_ =	shalt  }
0x49: {  	_ =	shalt  }
0x4a: {  	_ =	shalt  }
0x4b: {  	_ =	shalt  }
0x4c: {  	_ =	shalt  }
0x4d: {  	_ =	shalt  }
0x4e: {  	_ =	shalt  }
0x4f: {  	_ =	shalt  }
0x50: {  	_ =	shalt  }
0x51: {  	_ =	shalt  }
0x52: {  	_ =	shalt  }
0x53: {  	_ =	shalt  }
0x54: {  	_ =	shalt  }
0x55: {  	_ =	shalt  }
0x56: {  	_ =	shalt  }
0x57: {  	_ =	shalt  }
0x58: {  	_ =	shalt  }
0x59: {  	_ =	shalt  }
0x5a: {  	_ =	shalt  }
0x5b: {  	_ =	shalt  }
0x5c: {  	_ =	shalt  }
0x5d: {  	_ =	shalt  }
0x5e: {  	_ =	shalt  }
0x5f: {  	_ =	shalt  }
0x60: {  	_ =	shalt  }
0x61: {  	_ =	shalt  }
0x62: {  	_ =	shalt  }
0x63: {  	_ =	shalt  }
0x64: {  	_ =	shalt  }
0x65: {  	_ =	shalt  }
0x66: {  	_ =	shalt  }
0x67: {  	_ =	shalt  }
0x68: {  	_ =	shalt  }
0x69: {  	_ =	shalt  }
0x6a: {  	_ =	shalt  }
0x6b: {  	_ =	shalt  }
0x6c: {  	_ =	shalt  }
0x6d: {  	_ =	shalt  }
0x6e: {  	_ =	shalt  }
0x6f: {  	_ =	shalt  }
0x70: {  	_ =	shalt  }
0x71: {  	_ =	shalt  }
0x72: {  	_ =	shalt  }
0x73: {  	_ =	shalt  }
0x74: {  	_ =	shalt  }
0x75: {  	_ =	shalt  }
0x76: {  	_ =	shalt  }
0x77: {  	_ =	shalt  }
0x78: {  	_ =	shalt  }
0x79: {  	_ =	shalt  }
0x7a: {  	_ =	shalt  }
0x7b: {  	_ =	shalt  }
0x7c: {  	_ =	shalt  }
0x7d: {  	_ =	shalt  }
0x7e: {  	_ =	shalt  }
0x7f: {  	_ =	shalt  }
0x80: {  	_ =	shalt  }
0x81: {  	_ =	shalt  }
0x82: {  	_ =	shalt  }
0x83: {  	_ =	shalt  }
0x84: {  	_ =	shalt  }
0x85: {  	_ =	shalt  }
0x86: {  	_ =	shalt  }
0x87: {  	_ =	shalt  }
.Lfunc_end0:
.L_simem_size_0:
called_computation.4_lowered:
.L_overlay_start_0:
0x88: {  	s2 =	sld [smem:$0x3FD9]  }
0x89: {  	s3 =	sld [smem:$0x3FFE];
	_ =	sdelay $0x1  }
0x8a: {  	s1 =	srdreg.scid  }
0x8b: {  	s0 =	sand.u32 $0x1, s1  }
0x8c: {  	s17 =	sshll.u32 s0, $0xA;
	s2 =	sadd.s32 s3, s2  }
0x8d: {  	s2 =	sadd.s32 s2, s17  }
0x8e: {  	[smem:$0x3FC4] =	sst s2  }
0x8f: {  	_ = 	snop  }
0x90: {  	(tm) =	ssettm $0x1  }
0x91: {  	s18 =	sld [smem:$0x3FFB];
	_ =	sdelay $0x3  }
0x92: {  	_ =	strace s18  }
0x93: {  	s2 =	sld [smem:$0x3FFC];
	_ =	sdelay $0x3  }
0x94: {  	_ =	strace s2  }
0x95: {  	s2 =	sld [smem:$0x3FFD];
	_ =	sdelay $0x3  }
0x96: {  	_ =	strace s2  }
0x97: {  	_ =	strace $0x8FFFFFFF  }
0x98: {  	s19 =	sld [smem:$0x3FDB];
	_ =	sdelay $0x1  }
0x99: {  	s20 =	simm.s32 $_scs_section_size  }
0x9a: {  	s4 =	simm.s32 $_size__tile_overlayer_lowered;
	s5 =	simm.s32 $_tile_overlayer_lowered  }
0x9b: {  	s6 =	simm.s32 $0x1BFF;
	s21 =	sshll.u32 s5, $0x1;
	s3 =	sadd.s32 s20, s19  }
0x9c: {  	s22 =	simm.s32 $0x0;
	s4 =	sshll.u32 s4, $0x1;
	s5 =	sadd.s32 s21, s3  }
0x9d: {  	[timem:s22], [sflag:s6] =	dma.local [hbm:s5], s4  }
0x9e: {  	_ =	swait.ge [sflag:s6], s4  }
0x9f: {  	s4 =	ssub.s32 $0x0, s4;
	[sflag:s6] =	ssyncset.done $0x0  }
0xa0: {  	[sflag:s6] =	ssyncadd.s32 s4;
	_ =	sdelay $0x1  }
0xa1: {  	s23 =	simm.s32 $0x1B8B  }
0xa2: {  	_ =	swait.ge [sflag:s23], $0x1  }
0xa3: {  	[sflag:s23] =	ssyncset.done $0x0  }
0xa4: {  	[sflag:s23] =	ssyncadd.s32 $0xFFFFFFFF  }
0xa5: {  	s4 =	sld [smem:$0x0]  }
0xa6: {  	s5 =	sand.u32 $0xFFFFFFFE, s1  }
0xa7: {  	p0 =	sne.s32 s1, s5  }
0xa8: {  	s5 =	sshll.u32 @p0 s5, $0xE  }
0xa9: {  	s5 =	sadd.s32 @p0 $0x11B8D, s5;
	s6 =	sshll.u32 @p0 s4, $0x11  }
0xaa: {  	s5 =	sor.u32 @p0 s6, s5  }
0xab: {  	[sflag:s5] =	ssyncadd.remote.s32 @p0 $0x1;
	_ =	sdelay $0x1  }
0xac: {  	s5 =	simm.s32 @p0 $0x1B8D  }
0xad: {  	_ =	swait.eq @p0 [sflag:s5], $0x1  }
0xae: {  	[sflag:s5] =	ssyncadd.s32 @p0 $0xFFFFFFFF  }
0xaf: {  	s6 =	sshll.u32 @!p0 s1, $0xE  }
0xb0: {  	s6 =	sor.u32 @!p0 $0x4000, s6;
	s5 =	simm.s32 @!p0 $0x1B8D  }
0xb1: {  	s4 =	sshll.u32 @!p0 s4, $0x11;
	s6 =	sadd.s32 @!p0 $0x11B8D, s6;
	_ =	swait.eq @!p0 [sflag:s5], $0x1  }
0xb2: {  	s4 =	sor.u32 @!p0 s4, s6;
	[sflag:s5] =	ssyncadd.s32 @!p0 $0xFFFFFFFF  }
0xb3: {  	s25 =	simm.s32 $0x1B8E;
	s24 =	sld [smem:$0x3FFE];
	[sflag:s4] =	ssyncadd.remote.s32 @!p0 $0x1  }
0xb4: {  	s26 =	simm.s32 $execute0_lowered;
	[smem:$0x3FD2] =	sst s25  }
0xb5: {  	s5 =	sshll.u32 s26, $0x1;
	_ =	strace $0x80000052;
	[dreg:$0x1] =	wrdreg $0xFFFFFFFF  }
0xb6: {  	s28 =	simm.s32 $_size_execute0_lowered;
	s3 =	sadd.s32 s3, s5;
	[dreg:$0x0] =	wrdreg $0x0  }
0xb7: {  	s5 =	sshll.u32 s28, $0x1;
	[dreg:$0x2] =	wrdreg s3  }
0xb8: {  	[dreg:$0x3] =	wrdreg s5  }
0xb9: {  	[dreg:$0x4] =	wrdreg $0xC0  }
0xba: {  	_ =	task [dreg:s22], $0x5FFFF  }
0xbb: {  	[dreg:$0x1] =	wrdreg $0xFFFFFFFF  }
0xbc: {  	[dreg:$0x0] =	wrdreg $0x60  }
0xbd: {  	[dreg:$0x2] =	wrdreg s24  }
0xbe: {  	[dreg:$0x3] =	wrdreg $0xB  }
0xbf: {  	_ =	task.clear_ibuf [dreg:s22], $0x4FFFF;
	_ =	strace $0x90000052  }
0xc0: {  	s29 =	simm.s32 $0xB;
	_ =	strace $0x80000054  }
0xc1: {  	_ =	swait.ge [sflag:s29], $0x1  }
0xc2: {  	[sflag:s29] =	ssyncadd.s32 $0xFFFFFFFF  }
0xc3: {  	_ =	strace $0x90000054  }
0xc4: {  	_ =	sfence  }
0xc5: {  	s30 =	sld [smem:$0x0];
	_ =	sdelay $0x2  }
0xc6: {  	s31 =	sshll.u32 s1, $0xD;
	s1 =	sshrl.u32 s1, $0x2  }
0xc7: {  	s4 =	sand.u32 $0x4000, s31;
	s1 =	sadd.s32 s1, s30  }
0xc8: {  	s0 =	sor.u32 s4, s0;
	s1 =	sshll.u32 s1, $0x11  }
0xc9: {  	s0 =	sor.u32 s1, s0  }
0xca: {  	s0 =	sadd.s32 $0x8F2B, s0  }
0xcb: {  	[sflag:s0] =	ssyncadd.remote.s32 $0x1  }
0xcc: {  	_ =	sfence.sel $0xFFFF  }
0xcd: {  	[dreg:$0x0] =	wrdreg $0xFFFFFFFF;
	(pc) =	sbr.abs _section_cstart, $3  }
0xce: {  	[dreg:$0x1] =	wrdreg $0xFFFFFFFF  }
0xcf: {  	_ =	task.clear_ibuf [dreg:s22], $0x2FFFF;
	_ =	strace $0x9FFFFFFF  }
0xd0: {  	(tm) =	ssettm $0x7FFFFFFF  }
0xd1: {  	_ =	shalt  }
tec
execute0_lowered:
.L_overlay_start_1:
0x0: {  	(tag) =	ssettag $0x1  }
0x1: {  	s0 =	srdreg.scid;
	s5 =	rddreg [dreg:$0x0]  }
0x2: {  	s1 =	stileid.u32;
	s6 =	simm.s32 $0x1;
	s9 =	simm.s32 $0x1  }
0x3: {  	s10 =	simm.s32 $0x3;
	s13 =	simm.s32 $0x0;
	s2 =	sshll.u32 s0, $0x7  }
0x4: {  	s12 =	simm.s32 $0x0;
	s3 =	sshll.u32 s1, $0x8;
	s2 =	sand.u32 $0x80, s2  }
0x5: {  	s0 =	rddreg [dreg:$0x1];
	_ =	strace $0x80000053;
	s2 =	sor.u32 s3, s2  }
0x6: {  	s4 =	sadd.s32 $0x2DE00, s5;
	[sflag:s6] =	ssyncpa.u1 $0x0;
	s8 =	ssub.s32 $0x28100, s2  }
.Ltmp0:
0x7: {  	s3 =	sadd.s32 $0xD000, s5;
	s7 =	sand.u32 $0xF80, s8;
	(pc) =	sbr.rel .LBB2_1-.Ltmp0, $4  }
0x8: {  	s5 =	sadd.s32 $0x3D400, s5;
	s11 =	smov.u32 s2;
	p0 =	sne.s32 s7, $0x0  }
0x9: {  	s8 =	sshrl.u32 s8, $0xC;
	s7 =	simm.s32 $0x2;
	s9 =	simm.s32 @!p0 $0x0  }
0xa: {  	[sflag:s7] =	ssyncpa.u1 $0x0;
	p0 =	por $0x0, $0x0;
	s8 =	sadd.s32 s9, s8  }
0xb: {  	vm0 =	vmmov $0xffff;
	[sflag:s10] =	ssyncpa.u1 $0x0;
	s10 =	simm.s32 $0x0;
	s9 =	sadd.s32 $0x1, s8  }
.LBB2_4:
0xc: {  	v2 =	vnsel vm1, $0x0, v2  }
0xd: {  	vm1 =	vgt.s32 v0, $0x0;
	v2 =	vmin.u32 v2, $0x270FF  }
0xe: {  	v0 =	vnsel vm1, $0x0, v0  }
0xf: {  	v0 =	vmin.u32 v0, $0x270FF  }
0x10: {  	[tilespmem:s15], [sflag:$0x1] =	stream.indirect_vreg.gather [hbm4b:s3+s10], $0x1, v1, vm0, $0x4038;
	[tilespmem:$0x200] =	vst v63  }
0x11: {  	(ifvalue) =	ssetifvalue $0x7FFFFFFF  }
0x12: {  	[tilespmem:s16], [sflag:$0x1] =	stream.indirect_vreg.gather [hbm4b:s3+s10], $0x1, v2, vm0, $0x4038;
	[tilespmem:$0x200] =	vst v63  }
0x13: {  	s29 =	sadd.s32 $0x10, s16;
	(ifvalue) =	ssetifvalue $0x7FFFFFFF  }
0x14: {  	[tilespmem:s29], [sflag:$0x1] =	stream.indirect_vreg.gather [hbm4b:s3+s10], $0x1, v0, vm0, $0x4038;
	[tilespmem:$0x200] =	vst v63  }
0x15: {  	_ =	swait.ge [sflag:s6], $0x80  }
0x16: {  	s30 =	sshrl.u32 s13, $0x3;
	[sflag:s6] =	ssyncset.done $0x0  }
0x17: {  	s31 =	sand.u32 $0x7, s13;
	s15 =	sadd.s32 s5, s30;
	[sflag:s6] =	ssyncadd.s32 $0xFFFFFF80  }
0x18: {  	[hbm4b:s15+s31] =	stream.linear.scatter [tilespmem:s14], [sflag:$0x3], $0x80, $0x38;
	[tilespmem:$0x200] =	vst v63  }
.LBB2_5:
0x19: {  	s15 =	sadd.s32 $0x1000, s11  }
0x1a: {  	p2 =	sgt.s32 s15, $0x280FF  }
0x1b: {  	s15 =	smov.u32 @p2 s2;
	p2 =	sne.s32 s12, s9  }
.Ltmp1:
0x1c: {  	p1 =	slt.u32 s12, $0x2;
	(pc) =	sbr.rel @!p2 .LBB2_6-.Ltmp1, $4  }
0x1d: {  	s14 =	simm.s32 @!p1 $0x3  }
0x1e: {  	s16 =	sadd.s32 $0x1, s12;
	_ =	swait.ge @!p1 [sflag:s14], $0x80  }
0x1f: {  	s13 =	smov.u32 s11;
	p0 =	por !p0, !p0;
	[sflag:s14] =	ssyncset.done @!p1 $0x0  }
0x20: {  	s12 =	smov.u32 s16;
	s11 =	smov.u32 s15;
	[sflag:s14] =	ssyncadd.s32 @!p1 $0xFFFFFF80  }
.LBB2_1:
0x21: {  	p1 =	sge.u32 s12, s8  }
0x22: {  	s14 =	sxor.u32 @!p1 $0xFFFFFFFF, s12  }
0x23: {  	s31 =	sadd.s32 $0xFFFFFFFF, s12;
	s15 =	sshrl.u32 @!p1 s11, $0x3;
	s14 =	sshll.u32 @!p1 s14, $0x7  }
0x24: {  	s16 =	sand.u32 @!p1 $0x7, s11;
	s15 =	sadd.s32 @!p1 s4, s15;
	s14 =	sand.u32 @!p1 $0x80, s14  }
0x25: {  	[tilespmem:s14], [sflag:$0x2] =	stream.linear.gather @!p1 [hbm4b:s15+s16], $0x80, $0x38;
	[tilespmem:$0x200] =	vst v63  }
0x26: {  	p1 =	sge.u32 s31, s8  }
.Ltmp2:
0x27: {  	_ = 	snop;
	(pc) =	sbr.rel @p1 .LBB2_5-.Ltmp2, $1  }
0x28: {  	_ =	sdelay $0x3  }
0x29: {  	s14 =	simm.s32 $0x1  }
0x2a: {  	_ =	swait.ge [sflag:s7], $0x80;
	s14 =	simm.s32 @!p0 $0x0  }
0x2b: {  	[sflag:s7] =	ssyncset.done $0x0;
	s14 =	sshll.u32 s14, $0x7  }
0x2c: {  	[sflag:s7] =	ssyncadd.s32 $0xFFFFFF80;
	(ifvalue) =	ssetifvalue $0x7FFFFFFF;
	v0 =	vld.msk [tilespmem:s14+$0x0 ss:$0x1], $0xffff;
	_ =	sdelay $0x4  }
0x2d: {  	s15 =	sadd.s32 $0x10, s14;
	vm1 =	vgt.s32 v0, $0x0  }
0x2e: {  	v2 =	vld.msk [tilespmem:s15+$0x0 ss:$0x1], $0xffff;
	v1 =	vnsel vm1, $0x0, v0  }
0x2f: {  	v1 =	vmin.u32 v1, $0x270FF;
	_ =	sdelay $0x1  }
0x30: {  	s16 =	sshll.u32 s12, $0x7;
	s18 =	simm.s32 $0x20  }
0x31: {  	s16 =	sand.u32 $0x80, s16;
	s17 =	sadd.s32 $0x10, s15;
	s15 =	sor.u32 $0x100, s14  }
0x32: {  	s14 =	sor.u32 $0x100, s16;
	s16 =	sadd.s32 $0x10, s15;
	v0 =	vld.msk [tilespmem:s17+$0x0 ss:$0x1], $0xffff;
	vm1 =	vgt.s32 v2, $0x0;
	(ifvalue) =	ssetifvalue $0x7FFFFFFF  }
.LBB2_3:
0x33: {  	[tilespmem:s15], [sflag:$0x1] =	stream.indirect_vreg.gather [hbm4b:s3+s10], $0x1, v1, vm0, $0x4038;
	[tilespmem:$0x200] =	vst v63  }
0x34: {  	s18 =	sadd.s32 $0x10, s18  }
0x35: {  	v2 =	vnsel vm1, $0x0, v2;
	p1 =	slt.u32 s18, $0x70  }
.Ltmp3:
0x36: {  	s15 =	smov.u32 s16;
	v1 =	vmin.u32 v2, $0x270FF;
	(pc) =	sbr.rel @p1 .LBB2_3-.Ltmp3, $3  }
0x37: {  	_ =	sdelay $0x1  }
0x38: {  	s17 =	sadd.s32 $0x10, s17  }
0x39: {  	vm1 =	vgt.s32 v0, $0x0;
	s16 =	sadd.s32 $0x10, s16;
	v2 =	vmov v0;
	(ifvalue) =	ssetifvalue $0x7FFFFFFF;
	v0 =	vld.msk [tilespmem:s17+$0x0 ss:$0x1], $0xffff  }
.Ltmp4:
0x3a: {  	_ = 	snop;
	(pc) =	sbr.rel .LBB2_4-.Ltmp4, $1  }
0x3b: {  	_ =	sdelay $0x3  }
.LBB2_6:
0x3c: {  	_ =	sfence.sel $0x180000  }
0x3d: {  	s2 =	simm.s32 $0x2;
	[bflag:$0x0] =	sbarrier.arrive $0xFFFF  }
0x3e: {  	s30 =	simm.s32 $0x3;
	[sflag:s2] =	ssyncpa.u1 $0x1  }
0x3f: {  	s31 =	simm.s32 $0x1;
	[sflag:s30] =	ssyncpa.u1 $0x1  }
0x40: {  	[sflag:s31] =	ssyncpa.u1 $0x1  }
0x41: {  	p0 =	sne.s32 s1, $0x0;
	_ =	strace $0x90000053  }
0x42: {  	s0 =	sadd.s32 @!p0 $0x100000, s0;
	[bflag:$0x2] =	sbarrier.arrive $0xFFFF  }
0x43: {  	[sflag:s0] =	ssyncadd.tile.s32 @!p0 $0x1;
	_ =	shalt  }
.Lfunc_end2:
_tile_overlayer_lowered:
.L_overlay_start_2:
0x44: {  	(tag) =	ssettag $0x2  }
0x45: {  	s0 =	rddreg [dreg:$0x0];
	s2 =	stileid.u32  }
0x46: {  	s1 =	rddreg [dreg:$0x1];
	p0 =	sne.s32 s2, $0x0  }
0x47: {  	s3 =	rddreg [dreg:$0x2];
	[bflag:$0x3] =	sbarrier.arrive $0xFFFF;
	s2 =	simm.s32 @!p0 $0x1C01  }
0x48: {  	[timem:s3], [sflag:s2] =	dma.local @!p0 [hbm:s0], s1  }
0x49: {  	s0 =	simm.s32 @!p0 $0x1  }
0x4a: {  	_ =	swait.ge @!p0 [sflag:s0], s1  }
0x4b: {  	s1 =	ssub.s32 @!p0 $0x0, s1;
	[sflag:s0] =	ssyncset.done @!p0 $0x0  }
0x4c: {  	[sflag:s0] =	ssyncadd.s32 @!p0 s1  }
0x4d: {  	[bflag:$0x3] =	sbarrier.arrive $0xFFFF  }
0x4e: {  	_ =	shalt  }

// kernel: gather_offload_async_start
scs
__scs_entry_jumppad:
0x0: {  	(pc) =	sbr.rel $0x88, $3  }
0x1: {  	(tag) =	ssettag $0x0;
	lr =	simm.s32 $0x1  }
0x2: {  	[smem:$0x3F9D] =	sst lr;
	_ =	strace $0xD0000000  }
0x3: {  	_ = 	snop  }
0x4: {  	_ = 	snop  }
0x5: {  	_ = 	snop  }
0x6: {  	_ = 	snop  }
0x7: {  	_ = 	snop  }
__scs_overlays_trampoline_lowered:
0x8: {  	[smem:$0x3FAC] =	sst s0  }
0x9: {  	[smem:$0x3FAD] =	sst s1  }
0xa: {  	[smem:$0x3FAE] =	sst s2  }
0xb: {  	[smem:$0x3FAF] =	sst s3  }
0xc: {  	[smem:$0x3FB0] =	sst s4  }
0xd: {  	[smem:$0x3FB1] =	sst s5  }
0xe: {  	[smem:$0x3FB2] =	sst s6  }
0xf: {  	[smem:$0x3FB3] =	sst s7  }
0x10: {  	[smem:$0x3FB4] =	sst s8  }
0x11: {  	[smem:$0x3FB5] =	sst s9;
	s0 =	simm.s32 @!p0 $0x0  }
0x12: {  	s1 =	sld [smem:$0x3F9B];
	s0 =	simm.s32 @p0 $0x1  }
0x13: {  	[smem:$0x3FB6] =	sst s0;
	s0 =	simm.s32 @!p1 $0x0  }
0x14: {  	s2 =	sld [smem:$0x3F9A];
	s0 =	simm.s32 @p1 $0x1  }
0x15: {  	[smem:$0x3FB7] =	sst s0;
	s0 =	simm.s32 @!p2 $0x0  }
0x16: {  	s3 =	sld [smem:$0x3FDB];
	s0 =	simm.s32 @p2 $0x1  }
0x17: {  	s4 =	simm.s32 $0x1BF5;
	[smem:$0x3FB9] =	sst s0  }
0x18: {  	s0 =	sld [smem:$0x3F9C];
	_ =	swait.ge [sflag:s4], $0x0  }
0x19: {  	s7 =	sld [smem:$0x3F9D]  }
0x1a: {  	s8 =	sadd.s32 $0xFFFFE003, lr  }
0x1b: {  	s9 =	sadd.s32 $0xFFFFFEF7, lr;
	s5 =	simm.s32 $0xFFFFFFFF;
	p2 =	slt.u32 s8, $0xFFFFF086  }
0x1c: {  	p1 =	slt.u32 s9, $0xF7A;
	s5 =	simm.s32 @!p2 $0x0  }
0x1d: {  	s5 =	simm.s32 @p1 $0x1;
	p0 =	seq.s32 s7, s2  }
0x1e: {  	s7 =	smul.u32 @!p0 $0xF7A, s2;
	p2 =	seq.s32 @!p0 s5, $0x0  }
0x1f: {  	s9 =	smul.u32 $0xF7A, s1;
	s8 =	simm.s32 @!p0 $0x1BF5;
	p2 =	por !p2, p0  }
0x20: {  	[sflag:s8] =	ssyncset.s32 @!p0 $0xFFFFF086;
	s6 =	sadd.s32 @!p0 s3, s7;
	s7 =	simm.s32 @!p0 $0x108  }
0x21: {  	s3 =	sadd.s32 s3, s9;
	s6 =	sadd.s32 @!p0 $0x88, s6;
	s7 =	simm.s32 @p2 $0x1082  }
0x22: {  	[simem:s7], [sflag:s8] =	dma.local @!p0 [hbm:s6], $0xF7A  }
0x23: {  	s9 =	sor.u32 $0xD0000000, s2;
	s6 =	simm.s32 $0x108;
	_ =	swait.ge @!p0 [sflag:s8], $0x0  }
0x24: {  	s3 =	sadd.s32 $0x88, s3;
	s6 =	simm.s32 @!p1 $0x1082;
	[sflag:s4] =	ssyncset.s32 $0xFFFFF086  }
0x25: {  	[simem:s6], [sflag:s4] =	dma.local [hbm:s3], $0xF7A  }
0x26: {  	[smem:$0x3F9D] =	sst s1;
	(tag) =	ssettag s2;
	_ =	strace s9  }
0x27: {  	s1 =	sld [smem:$0x3FAD]  }
0x28: {  	s2 =	sld [smem:$0x3FAE]  }
0x29: {  	s4 =	sld [smem:$0x3FB0]  }
0x2a: {  	p0 =	seq.s32 s5, $0x0;
	s5 =	sld [smem:$0x3FB1]  }
0x2b: {  	s6 =	sld [smem:$0x3FB2]  }
0x2c: {  	s7 =	sld [smem:$0x3FB3]  }
0x2d: {  	s3 =	simm.s32 $0x108;
	s8 =	sld [smem:$0x3FB4]  }
0x2e: {  	s3 =	simm.s32 @!p0 $0x1082;
	s9 =	sld [smem:$0x3FB5]  }
0x2f: {  	lr =	sadd.s32 s0, s3;
	s0 =	sld [smem:$0x3FAC]  }
0x30: {  	s3 =	sld [smem:$0x3FAF]  }
0x31: {  	[smem:$0x3FB8] =	sst s10  }
0x32: {  	s10 =	sld [smem:$0x3FB6];
	_ =	sdelay $0x3  }
0x33: {  	p0 =	seq.s32 s10, $0x1;
	s10 =	sld [smem:$0x3FB8];
	_ =	sdelay $0x3  }
0x34: {  	[smem:$0x3FB8] =	sst s10  }
0x35: {  	s10 =	sld [smem:$0x3FB7];
	_ =	sdelay $0x3  }
0x36: {  	p1 =	seq.s32 s10, $0x1;
	s10 =	sld [smem:$0x3FB8];
	_ =	sdelay $0x3  }
0x37: {  	[smem:$0x3FB8] =	sst s10  }
0x38: {  	s10 =	sld [smem:$0x3FB9]  }
0x39: {  	_ = 	snop;
	(pc) =	sbr.ind lr, $3  }
0x3a: {  	_ = 	snop  }
0x3b: {  	_ = 	snop  }
0x3c: {  	p2 =	seq.s32 s10, $0x1;
	s10 =	sld [smem:$0x3FB8]  }
0x3d: {  	_ =	shalt  }
0x3e: {  	_ =	shalt  }
0x3f: {  	_ =	shalt  }
0x40: {  	_ =	shalt  }
0x41: {  	_ =	shalt  }
0x42: {  	_ =	shalt  }
0x43: {  	_ =	shalt  }
0x44: {  	_ =	shalt  }
0x45: {  	_ =	shalt  }
0x46: {  	_ =	shalt  }
0x47: {  	_ =	shalt  }
0x48: {  	_ =	shalt  }
0x49: {  	_ =	shalt  }
0x4a: {  	_ =	shalt  }
0x4b: {  	_ =	shalt  }
0x4c: {  	_ =	shalt  }
0x4d: {  	_ =	shalt  }
0x4e: {  	_ =	shalt  }
0x4f: {  	_ =	shalt  }
0x50: {  	_ =	shalt  }
0x51: {  	_ =	shalt  }
0x52: {  	_ =	shalt  }
0x53: {  	_ =	shalt  }
0x54: {  	_ =	shalt  }
0x55: {  	_ =	shalt  }
0x56: {  	_ =	shalt  }
0x57: {  	_ =	shalt  }
0x58: {  	_ =	shalt  }
0x59: {  	_ =	shalt  }
0x5a: {  	_ =	shalt  }
0x5b: {  	_ =	shalt  }
0x5c: {  	_ =	shalt  }
0x5d: {  	_ =	shalt  }
0x5e: {  	_ =	shalt  }
0x5f: {  	_ =	shalt  }
0x60: {  	_ =	shalt  }
0x61: {  	_ =	shalt  }
0x62: {  	_ =	shalt  }
0x63: {  	_ =	shalt  }
0x64: {  	_ =	shalt  }
0x65: {  	_ =	shalt  }
0x66: {  	_ =	shalt  }
0x67: {  	_ =	shalt  }
0x68: {  	_ =	shalt  }
0x69: {  	_ =	shalt  }
0x6a: {  	_ =	shalt  }
0x6b: {  	_ =	shalt  }
0x6c: {  	_ =	shalt  }
0x6d: {  	_ =	shalt  }
0x6e: {  	_ =	shalt  }
0x6f: {  	_ =	shalt  }
0x70: {  	_ =	shalt  }
0x71: {  	_ =	shalt  }
0x72: {  	_ =	shalt  }
0x73: {  	_ =	shalt  }
0x74: {  	_ =	shalt  }
0x75: {  	_ =	shalt  }
0x76: {  	_ =	shalt  }
0x77: {  	_ =	shalt  }
0x78: {  	_ =	shalt  }
0x79: {  	_ =	shalt  }
0x7a: {  	_ =	shalt  }
0x7b: {  	_ =	shalt  }
0x7c: {  	_ =	shalt  }
0x7d: {  	_ =	shalt  }
0x7e: {  	_ =	shalt  }
0x7f: {  	_ =	shalt  }
0x80: {  	_ =	shalt  }
0x81: {  	_ =	shalt  }
0x82: {  	_ =	shalt  }
0x83: {  	_ =	shalt  }
0x84: {  	_ =	shalt  }
0x85: {  	_ =	shalt  }
0x86: {  	_ =	shalt  }
0x87: {  	_ =	shalt  }
.Lfunc_end0:
.L_simem_size_0:
called_computation_lowered:
.L_overlay_start_0:
0x88: {  	s2 =	sld [smem:$0x3FD9]  }
0x89: {  	s3 =	sld [smem:$0x3FFE];
	_ =	sdelay $0x1  }
0x8a: {  	s1 =	srdreg.scid  }
0x8b: {  	s0 =	sand.u32 $0x1, s1  }
0x8c: {  	s16 =	sshll.u32 s0, $0xA;
	s2 =	sadd.s32 s3, s2  }
0x8d: {  	s2 =	sadd.s32 s2, s16  }
0x8e: {  	[smem:$0x3FC4] =	sst s2  }
0x8f: {  	_ = 	snop  }
0x90: {  	(tm) =	ssettm $0x1  }
0x91: {  	s17 =	sld [smem:$0x3FFB];
	_ =	sdelay $0x3  }
0x92: {  	_ =	strace s17  }
0x93: {  	s2 =	sld [smem:$0x3FFC];
	_ =	sdelay $0x3  }
0x94: {  	_ =	strace s2  }
0x95: {  	s2 =	sld [smem:$0x3FFD];
	_ =	sdelay $0x3  }
0x96: {  	_ =	strace s2  }
0x97: {  	_ =	strace $0x8FFFFFFF  }
0x98: {  	s18 =	sld [smem:$0x3FDB];
	_ =	sdelay $0x1  }
0x99: {  	s19 =	simm.s32 $_scs_section_size  }
0x9a: {  	s4 =	simm.s32 $_size__tile_overlayer_lowered;
	s5 =	simm.s32 $_tile_overlayer_lowered  }
0x9b: {  	s22 =	simm.s32 $0x1BFF;
	s21 =	sshll.u32 s5, $0x1;
	s2 =	sadd.s32 s19, s18  }
0x9c: {  	s6 =	simm.s32 $0x0;
	s20 =	sshll.u32 s4, $0x1;
	s4 =	sadd.s32 s21, s2  }
0x9d: {  	[timem:s6], [sflag:s22] =	dma.local [hbm:s4], s20  }
0x9e: {  	_ =	swait.ge [sflag:s22], s20  }
0x9f: {  	s3 =	ssub.s32 $0x0, s20;
	[sflag:s22] =	ssyncset.done $0x0  }
0xa0: {  	[sflag:s22] =	ssyncadd.s32 s3;
	_ =	sdelay $0x1  }
0xa1: {  	s23 =	simm.s32 $0x1B8B  }
0xa2: {  	_ =	swait.ge [sflag:s23], $0x1  }
0xa3: {  	[sflag:s23] =	ssyncset.done $0x0  }
0xa4: {  	s25 =	simm.s32 $0x1B8E;
	s24 =	sld [smem:$0x3FFE];
	[sflag:s23] =	ssyncadd.s32 $0xFFFFFFFF  }
0xa5: {  	s26 =	simm.s32 $execute0_lowered;
	[smem:$0x3FD2] =	sst s25  }
0xa6: {  	s4 =	sshll.u32 s26, $0x1;
	_ =	strace $0x80000046;
	[dreg:$0x1] =	wrdreg $0xFFFFFFFF  }
0xa7: {  	s28 =	simm.s32 $_size_execute0_lowered;
	s2 =	sadd.s32 s2, s4;
	[dreg:$0x0] =	wrdreg $0x0  }
0xa8: {  	s4 =	sshll.u32 s28, $0x1;
	[dreg:$0x2] =	wrdreg s2  }
0xa9: {  	[dreg:$0x3] =	wrdreg s4  }
0xaa: {  	[dreg:$0x4] =	wrdreg $0xC0  }
0xab: {  	_ =	task [dreg:s6], $0x5FFFF  }
0xac: {  	[dreg:$0x1] =	wrdreg $0xFFFFFFFF  }
0xad: {  	[dreg:$0x0] =	wrdreg $0x60  }
0xae: {  	[dreg:$0x2] =	wrdreg s24  }
0xaf: {  	[dreg:$0x3] =	wrdreg $0x9  }
0xb0: {  	_ =	task.clear_ibuf [dreg:s6], $0x4FFFF;
	_ =	strace $0x90000046  }
0xb1: {  	s29 =	simm.s32 $0x9;
	_ =	strace $0x80000048  }
0xb2: {  	_ =	swait.ge [sflag:s29], $0x1  }
0xb3: {  	[sflag:s29] =	ssyncadd.s32 $0xFFFFFFFF  }
0xb4: {  	_ =	strace $0x90000048  }
0xb5: {  	_ =	sfence  }
0xb6: {  	s30 =	sld [smem:$0x0];
	_ =	sdelay $0x2  }
0xb7: {  	s31 =	sshll.u32 s1, $0xD;
	s1 =	sshrl.u32 s1, $0x2  }
0xb8: {  	s3 =	sand.u32 $0x4000, s31;
	s1 =	sadd.s32 s1, s30  }
0xb9: {  	s0 =	sor.u32 s3, s0;
	s1 =	sshll.u32 s1, $0x11  }
0xba: {  	s0 =	sor.u32 s1, s0  }
0xbb: {  	s0 =	sadd.s32 $0x8F2B, s0  }
0xbc: {  	[sflag:s0] =	ssyncadd.remote.s32 $0x1  }
0xbd: {  	_ =	sfence.sel $0xFFFF  }
0xbe: {  	[dreg:$0x0] =	wrdreg $0xFFFFFFFF;
	(pc) =	sbr.abs _section_cstart, $3  }
0xbf: {  	[dreg:$0x1] =	wrdreg $0xFFFFFFFF  }
0xc0: {  	_ =	task.clear_ibuf [dreg:s6], $0x2FFFF;
	_ =	strace $0x9FFFFFFF  }
0xc1: {  	(tm) =	ssettm $0x7FFFFFFF  }
tec
execute0_lowered:
.L_overlay_start_1:
0x0: {  	(tag) =	ssettag $0x1  }
0x1: {  	s8 =	rddreg [dreg:$0x0]  }
0x2: {  	s0 =	rddreg [dreg:$0x1];
	_ =	strace $0x80000047;
	s1 =	stileid.u32  }
0x3: {  	s3 =	srdreg.scid;
	s4 =	simm.s32 $0x1;
	s7 =	simm.s32 $0x1  }
0x4: {  	s9 =	simm.s32 $0x1;
	s10 =	simm.s32 $0x3;
	s13 =	simm.s32 $0x0  }
0x5: {  	s12 =	simm.s32 $0x0;
	s5 =	sand.u32 $0x1, s3;
	s6 =	sshll.u32 s1, $0x1  }
0x6: {  	s2 =	sadd.s32 $0x17000, s8;
	s3 =	sadd.s32 $0x21000, s8;
	s5 =	sor.u32 s6, s5  }
.Ltmp0:
0x7: {  	[sflag:s4] =	ssyncpa.u1 $0x0;
	p0 =	slt.u32 s5, $0x9;
	(pc) =	sbr.rel .LBB2_1-.Ltmp0, $4  }
0x8: {  	s6 =	simm.s32 $0x2;
	s7 =	simm.s32 @!p0 $0x0;
	p0 =	sne.s32 s5, $0x8  }
0x9: {  	[sflag:s6] =	ssyncpa.u1 $0x0;
	s5 =	smul.u32 $0xFA0, s5;
	s9 =	simm.s32 @!p0 $0x0  }
0xa: {  	s8 =	sadd.s32 $0x26000, s8;
	[sflag:s10] =	ssyncpa.u1 $0x0;
	s7 =	sadd.s32 s9, s7  }
0xb: {  	vm0 =	vmmov $0xffff;
	s10 =	simm.s32 $0x0;
	s11 =	smov.u32 s5;
	s9 =	sadd.s32 $0x1, s7  }
.LBB2_4:
0xc: {  	v2 =	vnsel vm1, $0x0, v2  }
0xd: {  	vm1 =	vgt.s32 v0, $0x0;
	v2 =	vmin.u32 v2, $0x270FF  }
0xe: {  	v0 =	vnsel vm1, $0x0, v0  }
0xf: {  	v0 =	vmin.u32 v0, $0x270FF  }
0x10: {  	[tilespmem:s18], [sflag:$0x1] =	stream.indirect_vreg.gather [hbm4b:s2+s10], $0x1, v1, vm0, $0x4038;
	[tilespmem:$0x3E80] =	vst v63  }
0x11: {  	(ifvalue) =	ssetifvalue $0x7FFFFFFF  }
0x12: {  	[tilespmem:s15], [sflag:$0x1] =	stream.indirect_vreg.gather [hbm4b:s2+s10], $0x1, v2, vm0, $0x4038;
	[tilespmem:$0x3E80] =	vst v63  }
0x13: {  	s29 =	sadd.s32 $0x10, s15;
	(ifvalue) =	ssetifvalue $0x7FFFFFFF  }
0x14: {  	[tilespmem:s29], [sflag:$0x1] =	stream.indirect_vreg.gather [hbm4b:s2+s10], $0x1, v0, vm0, $0x4038;
	[tilespmem:$0x3E80] =	vst v63  }
0x15: {  	_ =	swait.ge [sflag:s4], $0xFA0  }
0x16: {  	s30 =	sshrl.u32 s13, $0x3;
	[sflag:s4] =	ssyncset.done $0x0  }
0x17: {  	s31 =	sand.u32 $0x7, s13;
	s15 =	sadd.s32 s8, s30;
	[sflag:s4] =	ssyncadd.s32 $0xFFFFF060  }
0x18: {  	[hbm4b:s15+s31] =	stream.linear.scatter [tilespmem:s14], [sflag:$0x3], $0xFA0, $0x38;
	[tilespmem:$0x3E80] =	vst v63  }
.LBB2_5:
0x19: {  	s15 =	sadd.s32 $0x1F400, s11  }
0x1a: {  	p1 =	sgt.s32 s15, $0x270FF  }
0x1b: {  	s15 =	smov.u32 @p1 s5;
	p1 =	sne.s32 s12, s9  }
.Ltmp1:
0x1c: {  	p0 =	slt.u32 s12, $0x2;
	(pc) =	sbr.rel @!p1 .LBB2_6-.Ltmp1, $4  }
0x1d: {  	s14 =	simm.s32 @!p0 $0x3  }
0x1e: {  	_ =	swait.ge @!p0 [sflag:s14], $0xFA0  }
0x1f: {  	s16 =	sadd.s32 $0x1, s12;
	s13 =	smov.u32 s11;
	[sflag:s14] =	ssyncset.done @!p0 $0x0  }
0x20: {  	s12 =	smov.u32 s16;
	s11 =	smov.u32 s15;
	[sflag:s14] =	ssyncadd.s32 @!p0 $0xFFFFF060  }
.LBB2_1:
0x21: {  	p0 =	sge.u32 s12, s7  }
0x22: {  	s14 =	sxor.u32 @!p0 $0x1, s12  }
0x23: {  	s14 =	smul.u32 @!p0 $0x3E80, s14  }
0x24: {  	s31 =	sadd.s32 $0xFFFFFFFF, s12;
	s15 =	sshrl.u32 @!p0 s11, $0x3  }
0x25: {  	s16 =	sand.u32 @!p0 $0x7, s11;
	s15 =	sadd.s32 @!p0 s3, s15;
	s14 =	sshra.s32 @!p0 s14, $0x2  }
0x26: {  	[tilespmem:s14], [sflag:$0x2] =	stream.linear.gather @!p0 [hbm4b:s15+s16], $0xFA0, $0x38;
	[tilespmem:$0x3E80] =	vst v63  }
0x27: {  	p0 =	sge.u32 s31, s7  }
.Ltmp2:
0x28: {  	_ = 	snop;
	(pc) =	sbr.rel @p0 .LBB2_5-.Ltmp2, $1  }
0x29: {  	_ =	sdelay $0x3  }
0x2a: {  	s14 =	sand.u32 $0x1, s12  }
0x2b: {  	_ =	swait.ge [sflag:s6], $0xFA0;
	p0 =	seq.s32 s14, $0x1;
	s14 =	simm.s32 $0xFA0  }
0x2c: {  	[sflag:s6] =	ssyncset.done $0x0;
	s14 =	simm.s32 @!p0 $0x0  }
0x2d: {  	[sflag:s6] =	ssyncadd.s32 $0xFFFFF060;
	(ifvalue) =	ssetifvalue $0x7FFFFFFF;
	v0 =	vld.msk [tilespmem:s14+$0x0 ss:$0x1], $0xffff;
	_ =	sdelay $0x4  }
0x2e: {  	s15 =	sadd.s32 $0x10, s14;
	vm1 =	vgt.s32 v0, $0x0  }
0x2f: {  	v2 =	vld.msk [tilespmem:s15+$0x0 ss:$0x1], $0xffff;
	v1 =	vnsel vm1, $0x0, v0  }
0x30: {  	v1 =	vmin.u32 v1, $0x270FF;
	_ =	sdelay $0x2  }
0x31: {  	s17 =	simm.s32 $0x20;
	s14 =	sadd.s32 $0x1F40, s14;
	s16 =	sadd.s32 $0x10, s15  }
0x32: {  	s15 =	sadd.s32 $0x10, s14;
	s18 =	smov.u32 s14;
	v0 =	vld.msk [tilespmem:s16+$0x0 ss:$0x1], $0xffff;
	vm1 =	vgt.s32 v2, $0x0;
	(ifvalue) =	ssetifvalue $0x7FFFFFFF  }
.LBB2_3:
0x33: {  	[tilespmem:s18], [sflag:$0x1] =	stream.indirect_vreg.gather [hbm4b:s2+s10], $0x1, v1, vm0, $0x4038;
	[tilespmem:$0x3E80] =	vst v63  }
0x34: {  	s17 =	sadd.s32 $0x10, s17  }
0x35: {  	v2 =	vnsel vm1, $0x0, v2;
	p0 =	slt.u32 s17, $0xF90  }
.Ltmp3:
0x36: {  	s18 =	smov.u32 s15;
	v1 =	vmin.u32 v2, $0x270FF;
	(pc) =	sbr.rel @p0 .LBB2_3-.Ltmp3, $3  }
0x37: {  	_ =	sdelay $0x1  }
0x38: {  	s16 =	sadd.s32 $0x10, s16  }
0x39: {  	vm1 =	vgt.s32 v0, $0x0;
	s15 =	sadd.s32 $0x10, s15;
	v2 =	vmov v0;
	(ifvalue) =	ssetifvalue $0x7FFFFFFF;
	v0 =	vld.msk [tilespmem:s16+$0x0 ss:$0x1], $0xffff  }
.Ltmp4:
0x3a: {  	_ = 	snop;
	(pc) =	sbr.rel .LBB2_4-.Ltmp4, $1  }
0x3b: {  	_ =	sdelay $0x3  }
.LBB2_6:
0x3c: {  	_ =	sfence.sel $0x180000  }
0x3d: {  	s2 =	simm.s32 $0x2;
	[bflag:$0x0] =	sbarrier.arrive $0xFFFF  }
0x3e: {  	s30 =	simm.s32 $0x3;
	[sflag:s2] =	ssyncpa.u1 $0x1  }
0x3f: {  	s31 =	simm.s32 $0x1;
	[sflag:s30] =	ssyncpa.u1 $0x1  }
0x40: {  	[sflag:s31] =	ssyncpa.u1 $0x1  }
0x41: {  	p0 =	sne.s32 s1, $0x0;
	_ =	strace $0x90000047  }
0x42: {  	s0 =	sadd.s32 @!p0 $0x100000, s0;
	[bflag:$0x2] =	sbarrier.arrive $0xFFFF  }
0x43: {  	[sflag:s0] =	ssyncadd.tile.s32 @!p0 $0x1;
	_ =	shalt  }
.Lfunc_end2:
_tile_overlayer_lowered:
.L_overlay_start_2:
0x44: {  	(tag) =	ssettag $0x2  }
0x45: {  	s0 =	rddreg [dreg:$0x0];
	s2 =	stileid.u32  }
0x46: {  	s1 =	rddreg [dreg:$0x1];
	p0 =	sne.s32 s2, $0x0  }
0x47: {  	s3 =	rddreg [dreg:$0x2];
	[bflag:$0x3] =	sbarrier.arrive $0xFFFF;
	s2 =	simm.s32 @!p0 $0x1C01  }
0x48: {  	[timem:s3], [sflag:s2] =	dma.local @!p0 [hbm:s0], s1  }
0x49: {  	s0 =	simm.s32 @!p0 $0x1  }
0x4a: {  	_ =	swait.ge @!p0 [sflag:s0], s1  }
0x4b: {  	s1 =	ssub.s32 @!p0 $0x0, s1;
	[sflag:s0] =	ssyncset.done @!p0 $0x0  }
0x4c: {  	[sflag:s0] =	ssyncadd.s32 @!p0 s1  }
0x4d: {  	[bflag:$0x3] =	sbarrier.arrive $0xFFFF  }
0x4e: {  	_ =	shalt  }

// kernel: kernel.4.cloned.1.call-start
scs
__scs_entry_jumppad:
0x0: {  	(pc) =	sbr.rel $0x88, $3  }
0x1: {  	(tag) =	ssettag $0x0;
	lr =	simm.s32 $0x1  }
0x2: {  	[smem:$0x3F9D] =	sst lr;
	_ =	strace $0xD0000000  }
0x3: {  	_ = 	snop  }
0x4: {  	_ = 	snop  }
0x5: {  	_ = 	snop  }
0x6: {  	_ = 	snop  }
0x7: {  	_ = 	snop  }
__scs_overlays_trampoline_lowered:
0x8: {  	[smem:$0x3FAC] =	sst s0  }
0x9: {  	[smem:$0x3FAD] =	sst s1  }
0xa: {  	[smem:$0x3FAE] =	sst s2  }
0xb: {  	[smem:$0x3FAF] =	sst s3  }
0xc: {  	[smem:$0x3FB0] =	sst s4  }
0xd: {  	[smem:$0x3FB1] =	sst s5  }
0xe: {  	[smem:$0x3FB2] =	sst s6  }
0xf: {  	[smem:$0x3FB3] =	sst s7  }
0x10: {  	[smem:$0x3FB4] =	sst s8  }
0x11: {  	[smem:$0x3FB5] =	sst s9;
	s0 =	simm.s32 @!p0 $0x0  }
0x12: {  	s1 =	sld [smem:$0x3F9B];
	s0 =	simm.s32 @p0 $0x1  }
0x13: {  	[smem:$0x3FB6] =	sst s0;
	s0 =	simm.s32 @!p1 $0x0  }
0x14: {  	s2 =	sld [smem:$0x3F9A];
	s0 =	simm.s32 @p1 $0x1  }
0x15: {  	[smem:$0x3FB7] =	sst s0;
	s0 =	simm.s32 @!p2 $0x0  }
0x16: {  	s3 =	sld [smem:$0x3FDB];
	s0 =	simm.s32 @p2 $0x1  }
0x17: {  	s4 =	simm.s32 $0x1BF5;
	[smem:$0x3FB9] =	sst s0  }
0x18: {  	s0 =	sld [smem:$0x3F9C];
	_ =	swait.ge [sflag:s4], $0x0  }
0x19: {  	s7 =	sld [smem:$0x3F9D]  }
0x1a: {  	s8 =	sadd.s32 $0xFFFFE003, lr  }
0x1b: {  	s9 =	sadd.s32 $0xFFFFFEF7, lr;
	s5 =	simm.s32 $0xFFFFFFFF;
	p2 =	slt.u32 s8, $0xFFFFF086  }
0x1c: {  	p1 =	slt.u32 s9, $0xF7A;
	s5 =	simm.s32 @!p2 $0x0  }
0x1d: {  	s5 =	simm.s32 @p1 $0x1;
	p0 =	seq.s32 s7, s2  }
0x1e: {  	s7 =	smul.u32 @!p0 $0xF7A, s2;
	p2 =	seq.s32 @!p0 s5, $0x0  }
0x1f: {  	s9 =	smul.u32 $0xF7A, s1;
	s8 =	simm.s32 @!p0 $0x1BF5;
	p2 =	por !p2, p0  }
0x20: {  	[sflag:s8] =	ssyncset.s32 @!p0 $0xFFFFF086;
	s6 =	sadd.s32 @!p0 s3, s7;
	s7 =	simm.s32 @!p0 $0x108  }
0x21: {  	s3 =	sadd.s32 s3, s9;
	s6 =	sadd.s32 @!p0 $0x88, s6;
	s7 =	simm.s32 @p2 $0x1082  }
0x22: {  	[simem:s7], [sflag:s8] =	dma.local @!p0 [hbm:s6], $0xF7A  }
0x23: {  	s9 =	sor.u32 $0xD0000000, s2;
	s6 =	simm.s32 $0x108;
	_ =	swait.ge @!p0 [sflag:s8], $0x0  }
0x24: {  	s3 =	sadd.s32 $0x88, s3;
	s6 =	simm.s32 @!p1 $0x1082;
	[sflag:s4] =	ssyncset.s32 $0xFFFFF086  }
0x25: {  	[simem:s6], [sflag:s4] =	dma.local [hbm:s3], $0xF7A  }
0x26: {  	[smem:$0x3F9D] =	sst s1;
	(tag) =	ssettag s2;
	_ =	strace s9  }
0x27: {  	s1 =	sld [smem:$0x3FAD]  }
0x28: {  	s2 =	sld [smem:$0x3FAE]  }
0x29: {  	s4 =	sld [smem:$0x3FB0]  }
0x2a: {  	p0 =	seq.s32 s5, $0x0;
	s5 =	sld [smem:$0x3FB1]  }
0x2b: {  	s6 =	sld [smem:$0x3FB2]  }
0x2c: {  	s7 =	sld [smem:$0x3FB3]  }
0x2d: {  	s3 =	simm.s32 $0x108;
	s8 =	sld [smem:$0x3FB4]  }
0x2e: {  	s3 =	simm.s32 @!p0 $0x1082;
	s9 =	sld [smem:$0x3FB5]  }
0x2f: {  	lr =	sadd.s32 s0, s3;
	s0 =	sld [smem:$0x3FAC]  }
0x30: {  	s3 =	sld [smem:$0x3FAF]  }
0x31: {  	[smem:$0x3FB8] =	sst s10  }
0x32: {  	s10 =	sld [smem:$0x3FB6];
	_ =	sdelay $0x3  }
0x33: {  	p0 =	seq.s32 s10, $0x1;
	s10 =	sld [smem:$0x3FB8];
	_ =	sdelay $0x3  }
0x34: {  	[smem:$0x3FB8] =	sst s10  }
0x35: {  	s10 =	sld [smem:$0x3FB7];
	_ =	sdelay $0x3  }
0x36: {  	p1 =	seq.s32 s10, $0x1;
	s10 =	sld [smem:$0x3FB8];
	_ =	sdelay $0x3  }
0x37: {  	[smem:$0x3FB8] =	sst s10  }
0x38: {  	s10 =	sld [smem:$0x3FB9]  }
0x39: {  	_ = 	snop;
	(pc) =	sbr.ind lr, $3  }
0x3a: {  	_ = 	snop  }
0x3b: {  	_ = 	snop  }
0x3c: {  	p2 =	seq.s32 s10, $0x1;
	s10 =	sld [smem:$0x3FB8]  }
0x3d: {  	_ =	shalt  }
0x3e: {  	_ =	shalt  }
0x3f: {  	_ =	shalt  }
0x40: {  	_ =	shalt  }
0x41: {  	_ =	shalt  }
0x42: {  	_ =	shalt  }
0x43: {  	_ =	shalt  }
0x44: {  	_ =	shalt  }
0x45: {  	_ =	shalt  }
0x46: {  	_ =	shalt  }
0x47: {  	_ =	shalt  }
0x48: {  	_ =	shalt  }
0x49: {  	_ =	shalt  }
0x4a: {  	_ =	shalt  }
0x4b: {  	_ =	shalt  }
0x4c: {  	_ =	shalt  }
0x4d: {  	_ =	shalt  }
0x4e: {  	_ =	shalt  }
0x4f: {  	_ =	shalt  }
0x50: {  	_ =	shalt  }
0x51: {  	_ =	shalt  }
0x52: {  	_ =	shalt  }
0x53: {  	_ =	shalt  }
0x54: {  	_ =	shalt  }
0x55: {  	_ =	shalt  }
0x56: {  	_ =	shalt  }
0x57: {  	_ =	shalt  }
0x58: {  	_ =	shalt  }
0x59: {  	_ =	shalt  }
0x5a: {  	_ =	shalt  }
0x5b: {  	_ =	shalt  }
0x5c: {  	_ =	shalt  }
0x5d: {  	_ =	shalt  }
0x5e: {  	_ =	shalt  }
0x5f: {  	_ =	shalt  }
0x60: {  	_ =	shalt  }
0x61: {  	_ =	shalt  }
0x62: {  	_ =	shalt  }
0x63: {  	_ =	shalt  }
0x64: {  	_ =	shalt  }
0x65: {  	_ =	shalt  }
0x66: {  	_ =	shalt  }
0x67: {  	_ =	shalt  }
0x68: {  	_ =	shalt  }
0x69: {  	_ =	shalt  }
0x6a: {  	_ =	shalt  }
0x6b: {  	_ =	shalt  }
0x6c: {  	_ =	shalt  }
0x6d: {  	_ =	shalt  }
0x6e: {  	_ =	shalt  }
0x6f: {  	_ =	shalt  }
0x70: {  	_ =	shalt  }
0x71: {  	_ =	shalt  }
0x72: {  	_ =	shalt  }
0x73: {  	_ =	shalt  }
0x74: {  	_ =	shalt  }
0x75: {  	_ =	shalt  }
0x76: {  	_ =	shalt  }
0x77: {  	_ =	shalt  }
0x78: {  	_ =	shalt  }
0x79: {  	_ =	shalt  }
0x7a: {  	_ =	shalt  }
0x7b: {  	_ =	shalt  }
0x7c: {  	_ =	shalt  }
0x7d: {  	_ =	shalt  }
0x7e: {  	_ =	shalt  }
0x7f: {  	_ =	shalt  }
0x80: {  	_ =	shalt  }
0x81: {  	_ =	shalt  }
0x82: {  	_ =	shalt  }
0x83: {  	_ =	shalt  }
0x84: {  	_ =	shalt  }
0x85: {  	_ =	shalt  }
0x86: {  	_ =	shalt  }
0x87: {  	_ =	shalt  }
.Lfunc_end0:
.L_simem_size_0:
called_computation.5_lowered:
.L_overlay_start_0:
0x88: {  	s2 =	sld [smem:$0x3FD9]  }
0x89: {  	s3 =	sld [smem:$0x3FFE];
	_ =	sdelay $0x1  }
0x8a: {  	s1 =	srdreg.scid  }
0x8b: {  	s0 =	sand.u32 $0x1, s1  }
0x8c: {  	s17 =	sshll.u32 s0, $0xA;
	s2 =	sadd.s32 s3, s2  }
0x8d: {  	s2 =	sadd.s32 s2, s17  }
0x8e: {  	[smem:$0x3FC4] =	sst s2  }
0x8f: {  	_ = 	snop  }
0x90: {  	s2 =	sld [smem:$0x3FD0];
	(tm) =	ssettm $0x1  }
0x91: {  	s18 =	sld [smem:$0x3FFB];
	_ =	sdelay $0x3  }
0x92: {  	_ =	strace s18  }
0x93: {  	s3 =	sld [smem:$0x3FFC];
	_ =	sdelay $0x3  }
0x94: {  	_ =	strace s3  }
0x95: {  	s3 =	sld [smem:$0x3FFD];
	_ =	sdelay $0x3  }
0x96: {  	_ =	strace s3  }
0x97: {  	_ =	strace $0x8FFFFFFF  }
0x98: {  	s19 =	sld [smem:$0x3FDB];
	_ =	sdelay $0x1  }
0x99: {  	s4 =	simm.s32 $_scs_section_size  }
0x9a: {  	s5 =	simm.s32 $_size__tile_overlayer_lowered;
	s6 =	simm.s32 $_tile_overlayer_lowered  }
0x9b: {  	s22 =	simm.s32 $0x1BFF;
	s21 =	sshll.u32 s6, $0x1;
	s3 =	sadd.s32 s4, s19  }
0x9c: {  	s7 =	simm.s32 $0x0;
	s20 =	sshll.u32 s5, $0x1;
	s5 =	sadd.s32 s21, s3  }
0x9d: {  	[timem:s7], [sflag:s22] =	dma.local [hbm:s5], s20  }
0x9e: {  	_ =	swait.ge [sflag:s22], s20  }
0x9f: {  	s4 =	ssub.s32 $0x0, s20;
	[sflag:s22] =	ssyncset.done $0x0  }
0xa0: {  	[sflag:s22] =	ssyncadd.s32 s4;
	_ =	sdelay $0x1  }
0xa1: {  	s23 =	simm.s32 $0x1B8B  }
0xa2: {  	_ =	swait.ge [sflag:s23], $0x1  }
0xa3: {  	[sflag:s23] =	ssyncset.done $0x0  }
0xa4: {  	s25 =	simm.s32 $0x1B8E;
	s24 =	sld [smem:$0x3FFE];
	[sflag:s23] =	ssyncadd.s32 $0xFFFFFFFF  }
0xa5: {  	s26 =	simm.s32 $execute0_lowered;
	[smem:$0x3FD2] =	sst s25  }
0xa6: {  	s5 =	sshll.u32 s26, $0x1;
	_ =	strace $0x80000055;
	[dreg:$0x1] =	wrdreg $0xFFFFFFFF  }
0xa7: {  	s28 =	simm.s32 $_size_execute0_lowered;
	s3 =	sadd.s32 s3, s5;
	[dreg:$0x0] =	wrdreg $0x0  }
0xa8: {  	s5 =	sshll.u32 s28, $0x1;
	[dreg:$0x2] =	wrdreg s3  }
0xa9: {  	[dreg:$0x3] =	wrdreg s5  }
0xaa: {  	[dreg:$0x4] =	wrdreg $0xC0  }
0xab: {  	_ =	task [dreg:s7], $0x5FFFF  }
0xac: {  	[dreg:$0x1] =	wrdreg $0xFFFFFFFF  }
0xad: {  	[dreg:$0x0] =	wrdreg $0x60  }
0xae: {  	[dreg:$0x2] =	wrdreg s2  }
0xaf: {  	[dreg:$0x3] =	wrdreg s24  }
0xb0: {  	[dreg:$0x4] =	wrdreg $0x44000  }
0xb1: {  	[dreg:$0x5] =	wrdreg $0x9  }
0xb2: {  	_ =	task.clear_ibuf [dreg:s7], $0x6FFFF;
	_ =	strace $0x90000055  }
0xb3: {  	s29 =	simm.s32 $0x9;
	_ =	strace $0x80000057  }
0xb4: {  	_ =	swait.ge [sflag:s29], $0x1  }
0xb5: {  	[sflag:s29] =	ssyncadd.s32 $0xFFFFFFFF  }
0xb6: {  	_ =	strace $0x90000057  }
0xb7: {  	_ =	sfence  }
0xb8: {  	s30 =	sld [smem:$0x0];
	_ =	sdelay $0x2  }
0xb9: {  	s31 =	sshll.u32 s1, $0xD;
	s1 =	sshrl.u32 s1, $0x2  }
0xba: {  	s3 =	sand.u32 $0x4000, s31;
	s1 =	sadd.s32 s1, s30  }
0xbb: {  	s0 =	sor.u32 s3, s0;
	s1 =	sshll.u32 s1, $0x11  }
0xbc: {  	s0 =	sor.u32 s1, s0  }
0xbd: {  	s0 =	sadd.s32 $0x8F2B, s0  }
0xbe: {  	[sflag:s0] =	ssyncadd.remote.s32 $0x1  }
0xbf: {  	_ =	sfence.sel $0xFFFF  }
0xc0: {  	[dreg:$0x0] =	wrdreg $0xFFFFFFFF;
	(pc) =	sbr.abs _section_cstart, $3  }
0xc1: {  	[dreg:$0x1] =	wrdreg $0xFFFFFFFF  }
0xc2: {  	_ =	task.clear_ibuf [dreg:s7], $0x2FFFF;
	_ =	strace $0x9FFFFFFF  }
0xc3: {  	(tm) =	ssettm $0x7FFFFFFF  }
tec
execute0_lowered:
.L_overlay_start_1:
0x0: {  	(tag) =	ssettag $0x1  }
0x1: {  	s1 =	rddreg [dreg:$0x0]  }
0x2: {  	s0 =	rddreg [dreg:$0x1]  }
0x3: {  	s2 =	rddreg [dreg:$0x2];
	s4 =	simm.s32 $0x0  }
0x4: {  	s3 =	srdreg.scid;
	s15 =	stileid.u32;
	s19 =	simm.s32 $0x2  }
0x5: {  	s21 =	simm.s32 $0x400;
	s22 =	simm.s32 $0x380;
	s23 =	simm.s32 $0x300  }
0x6: {  	s24 =	simm.s32 $0x80;
	s25 =	simm.s32 $0x1;
	s26 =	simm.s32 $0x0  }
0x7: {  	[smem:$0x7FF] =	sst s4;
	s3 =	sand.u32 $0x1, s3;
	s10 =	smul.u32 $0x140, s15  }
0x8: {  	s5 =	sadd.s32 $0x2200, s0;
	s6 =	sadd.s32 $0x28C00, s0;
	s7 =	sadd.s32 $0x28800, s0  }
0x9: {  	s8 =	sadd.s32 $0x28A00, s0;
	s9 =	sadd.s32 $0xCC00, s0;
	s13 =	smul.u32 $0x28000, s15  }
0xa: {  	s31 =	sshll.u32 s15, $0x3;
	s11 =	smul.u32 $0x1400, s3;
	s12 =	ssub.s32 $0x2, s3  }
0xb: {  	_ =	strace $0x80000056;
	s3 =	sshll.u32 s3, $0x7;
	s14 =	sshrl.u32 s12, $0x1  }
.Ltmp0:
0xc: {  	s30 =	sshrl.u32 s13, $0x2;
	s11 =	sadd.s32 s10, s11;
	(pc) =	sbr.rel .LBB2_1-.Ltmp0, $4  }
0xd: {  	s10 =	sadd.s32 $0xC400, s0;
	s18 =	ssub.s32 s12, s14;
	s11 =	sshll.u32 s11, $0x4  }
0xe: {  	s12 =	sor.u32 s31, s3;
	s0 =	sadd.s32 s11, s0;
	s11 =	sadd.s32 s30, s2  }
0xf: {  	s18 =	smax.u32 s18, $0x1;
	s13 =	sadd.s32 $0x4000, s11;
	s14 =	sadd.s32 $0x8000, s11  }
0x10: {  	s15 =	sadd.s32 $0x2DE00, s0;
	s16 =	sadd.s32 $0x55E00, s0;
	s17 =	sadd.s32 $0x7DE00, s0  }
.LBB2_16:
0x11: {  	s0 =	sadd.s32 s6, s3;
	[sflag:s19] =	ssyncadd.s32 @p0 $0xFFFFC000  }
0x12: {  	[tilespmem:s22], [sflag:$0x2] =	stream.linear.gather [hbm4b:s0+s4], $0x80, $0x38;
	[tilespmem:$0xE800] =	vst v63  }
0x13: {  	_ =	swait.ge [sflag:s19], $0x80  }
0x14: {  	[sflag:s19] =	ssyncset.done $0x0  }
0x15: {  	[sflag:s19] =	ssyncadd.s32 $0xFFFFFF80  }
0x16: {  	[spmem:s2] =	stream.indirect.scatter.add.f32 [tilespmem:s21], [sflag:$0x2], $0x80, s22, s24, $0xb8;
	[tilespmem:$0xE800] =	vst v63  }
0x17: {  	_ =	swait.ge [sflag:s19], $0x4000  }
0x18: {  	[sflag:s19] =	ssyncset.done $0x0  }
0x19: {  	[sflag:s19] =	ssyncadd.s32 $0xFFFFC000  }
.LBB2_17:
0x1a: {  	s26 =	sadd.s32 $0x1, s26  }
0x1b: {  	p0 =	sne.s32 s26, s18  }
.Ltmp1:
0x1c: {  	_ = 	snop;
	(pc) =	sbr.rel @!p0 .LBB2_18-.Ltmp1, $4  }
0x1d: {  	[hbm:s17], [sflag:s30] =	dma.local [spmem:s31], $0x1400  }
0x1e: {  	_ =	swait.ge [sflag:s19], $0x1400  }
0x1f: {  	[sflag:s19] =	ssyncset.done $0x0  }
0x20: {  	[sflag:s19] =	ssyncadd.s32 $0xFFFFEC00  }
.LBB2_1:
0x21: {  	[tilespmem:s4], [sflag:$0x2] =	stream.linear.gather [hbm4b:s7+s4], $0x180, $0x38;
	[tilespmem:$0xE800] =	vst v63  }
0x22: {  	_ =	swait.ge [sflag:s19], $0x180  }
0x23: {  	[sflag:s19] =	ssyncset.done $0x0  }
0x24: {  	s0 =	simm.s32 $0x180;
	[sflag:s19] =	ssyncadd.s32 $0xFFFFFE80  }
0x25: {  	[tilespmem:s0], [sflag:$0x2] =	stream.linear.gather [hbm4b:s8+s4], $0x180, $0x38;
	[tilespmem:$0xE800] =	vst v63  }
0x26: {  	_ =	swait.ge [sflag:s19], $0x180  }
0x27: {  	[sflag:s19] =	ssyncset.done $0x0  }
0x28: {  	[sflag:s19] =	ssyncadd.s32 $0xFFFFFE80  }
0x29: {  	v0 =	vld [tilespmem:s12+$0x0]  }
0x2a: {  	v1 =	vld [tilespmem:s12+$0x180];
	_ =	sdelay $0x3  }
0x2b: {  	(v2sf) =	vpush v0, $0x0  }
0x2c: {  	(v2sf) =	vpush v1, $0x0;
	_ =	sdelay $0xc  }
0x2d: {  	[tilespmem:s21], [sflag:$0x2] =	stream.linear.gather [hbm4b:s9+s4], $0x4000, $0x38;
	[tilespmem:$0xE800] =	vst v63  }
0x2e: {  	s29 =	spop (v2sf)  }
0x2f: {  	s0 =	spop (v2sf)  }
0x30: {  	_ =	swait.ge [sflag:s19], $0x4000  }
0x31: {  	[sflag:s19] =	ssyncset.done $0x0  }
0x32: {  	[sflag:s19] =	ssyncadd.s32 $0xFFFFC000  }
0x33: {  	[spmem:s11] =	stream.linear.scatter [tilespmem:s21], [sflag:$0x2], $0x4000, $0x38;
	[tilespmem:$0xE800] =	vst v63  }
0x34: {  	_ =	swait.ge [sflag:s19], $0x4000  }
0x35: {  	[sflag:s19] =	ssyncset.done $0x0  }
0x36: {  	[sflag:s19] =	ssyncadd.s32 $0xFFFFC000  }
0x37: {  	[spmem:s13] =	stream.linear.scatter [tilespmem:s21], [sflag:$0x2], $0x4000, $0x38;
	[tilespmem:$0xE800] =	vst v63  }
0x38: {  	_ =	swait.ge [sflag:s19], $0x4000  }
0x39: {  	p0 =	slt.s32 s29, $0x1;
	[sflag:s19] =	ssyncset.done $0x0  }
.Ltmp2:
0x3a: {  	[sflag:s19] =	ssyncadd.s32 $0xFFFFC000;
	(pc) =	sbr.rel @p0 .LBB2_6-.Ltmp2, $4  }
0x3b: {  	[spmem:s14] =	stream.linear.scatter [tilespmem:s21], [sflag:$0x2], $0x2000, $0x38;
	[tilespmem:$0xE800] =	vst v63  }
0x3c: {  	_ =	swait.ge [sflag:s19], $0x2000  }
0x3d: {  	[sflag:s19] =	ssyncset.done $0x0  }
0x3e: {  	[sflag:s19] =	ssyncadd.s32 $0xFFFFE000  }
0x3f: {  	p2 =	sne.s32 s29, $0x1  }
.Ltmp3:
0x40: {  	_ = 	snop;
	(pc) =	sbr.rel @!p2 .LBB2_5-.Ltmp3, $2  }
0x41: {  	_ =	sdelay $0x2  }
0x42: {  	s20 =	sadd.s32 $0xFFFFFFFF, s29;
	s30 =	sshrl.u32 s0, $0x3;
	p1 =	por $0x0, $0x0  }
0x43: {  	s3 =	sadd.s32 s6, s30  }
0x44: {  	[tilespmem:s22], [sflag:$0x2] =	stream.linear.gather [hbm4b:s3+s4], $0x80, $0x38;
	[tilespmem:$0xE800] =	vst v63  }
0x45: {  	_ =	swait.ge [sflag:s19], $0x80  }
0x46: {  	[sflag:s19] =	ssyncset.done $0x0  }
0x47: {  	s31 =	sadd.s32 s5, s30;
	[sflag:s19] =	ssyncadd.s32 $0xFFFFFF80  }
0x48: {  	[tilespmem:s23], [sflag:$0x2] =	stream.linear.gather [hbm4b:s31+s4], $0x80, $0x38;
	[tilespmem:$0xE800] =	vst v63  }
0x49: {  	_ =	swait.ge [sflag:s19], $0x80  }
0x4a: {  	[sflag:s19] =	ssyncset.done $0x0  }
0x4b: {  	[sflag:s19] =	ssyncadd.s32 $0xFFFFFF80  }
0x4c: {  	[tilespmem:s21], [sflag:$0x1] =	stream.indirect.gather [hbm4b:s1+s24], $0x80, s23, s24, $0xb8;
	[tilespmem:$0xE800] =	vst v63  }
0x4d: {  	p2 =	sne.s32 s20, $0x1;
	_ =	swait.ge [sflag:s25], $0x4000  }
.Ltmp4:
0x4e: {  	[sflag:s25] =	ssyncset.done $0x0;
	(pc) =	sbr.rel @!p2 .LBB2_5-.Ltmp4, $4  }
0x4f: {  	[sflag:s25] =	ssyncadd.s32 $0xFFFFC000  }
0x50: {  	[spmem:s2] =	stream.indirect.scatter.add.f32 [tilespmem:s21], [sflag:$0x2], $0x80, s22, s24, $0xb8;
	[tilespmem:$0xE800] =	vst v63  }
0x51: {  	s20 =	sadd.s32 $0xFFFFFFFF, s20;
	s28 =	sadd.s32 $0x80, s0;
	_ =	swait.ge [sflag:s19], $0x4000  }
0x52: {  	p1 =	por $0x1, $0x1;
	s30 =	sshrl.u32 s28, $0x3;
	[sflag:s19] =	ssyncset.done $0x0  }
.LBB2_4:
0x53: {  	p2 =	sne.s32 s20, $0x1;
	s3 =	sadd.s32 s6, s30;
	[sflag:s19] =	ssyncadd.s32 $0xFFFFC000  }
0x54: {  	[tilespmem:s22], [sflag:$0x2] =	stream.linear.gather [hbm4b:s3+s4], $0x80, $0x38;
	[tilespmem:$0xE800] =	vst v63  }
0x55: {  	s20 =	sadd.s32 $0xFFFFFFFF, s20;
	_ =	swait.ge [sflag:s19], $0x80  }
0x56: {  	[sflag:s19] =	ssyncset.done $0x0  }
0x57: {  	s3 =	sadd.s32 s5, s30;
	[sflag:s19] =	ssyncadd.s32 $0xFFFFFF80  }
0x58: {  	[tilespmem:s23], [sflag:$0x2] =	stream.linear.gather [hbm4b:s3+s4], $0x80, $0x38;
	[tilespmem:$0xE800] =	vst v63  }
0x59: {  	_ =	swait.ge [sflag:s19], $0x80  }
0x5a: {  	[sflag:s19] =	ssyncset.done $0x0  }
0x5b: {  	[sflag:s19] =	ssyncadd.s32 $0xFFFFFF80  }
0x5c: {  	[tilespmem:s21], [sflag:$0x1] =	stream.indirect.gather [hbm4b:s1+s24], $0x80, s23, s24, $0xb8;
	[tilespmem:$0xE800] =	vst v63  }
0x5d: {  	_ =	swait.ge [sflag:s25], $0x4000  }
.Ltmp5:
0x5e: {  	[sflag:s25] =	ssyncset.done $0x0;
	(pc) =	sbr.rel @p2 .LBB2_4-.Ltmp5, $4  }
0x5f: {  	[sflag:s25] =	ssyncadd.s32 $0xFFFFC000  }
0x60: {  	[spmem:s2] =	stream.indirect.scatter.add.f32 [tilespmem:s21], [sflag:$0x2], $0x80, s22, s24, $0xb8;
	[tilespmem:$0xE800] =	vst v63  }
0x61: {  	s28 =	sadd.s32 $0x80, s28;
	_ =	swait.ge [sflag:s19], $0x4000  }
0x62: {  	s30 =	sshrl.u32 s28, $0x3;
	[sflag:s19] =	ssyncset.done $0x0  }
.LBB2_5:
0x63: {  	s3 =	sadd.s32 s6, s30;
	[sflag:s19] =	ssyncadd.s32 @p1 $0xFFFFC000  }
0x64: {  	[tilespmem:s22], [sflag:$0x2] =	stream.linear.gather [hbm4b:s3+s4], $0x80, $0x38;
	[tilespmem:$0xE800] =	vst v63  }
0x65: {  	_ =	swait.ge [sflag:s19], $0x80  }
0x66: {  	[sflag:s19] =	ssyncset.done $0x0  }
0x67: {  	s31 =	sadd.s32 s5, s30;
	[sflag:s19] =	ssyncadd.s32 $0xFFFFFF80  }
0x68: {  	[tilespmem:s23], [sflag:$0x2] =	stream.linear.gather [hbm4b:s31+s4], $0x80, $0x38;
	[tilespmem:$0xE800] =	vst v63  }
0x69: {  	_ =	swait.ge [sflag:s19], $0x80  }
0x6a: {  	[sflag:s19] =	ssyncset.done $0x0  }
0x6b: {  	[sflag:s19] =	ssyncadd.s32 $0xFFFFFF80  }
0x6c: {  	[tilespmem:s21], [sflag:$0x1] =	stream.indirect.gather [hbm4b:s1+s24], $0x80, s23, s24, $0xb8;
	[tilespmem:$0xE800] =	vst v63  }
0x6d: {  	_ =	swait.ge [sflag:s25], $0x4000  }
0x6e: {  	[sflag:s25] =	ssyncset.done $0x0  }
0x6f: {  	[sflag:s25] =	ssyncadd.s32 $0xFFFFC000  }
0x70: {  	[spmem:s2] =	stream.indirect.scatter.add.f32 [tilespmem:s21], [sflag:$0x2], $0x80, s22, s24, $0xb8;
	[tilespmem:$0xE800] =	vst v63  }
0x71: {  	_ =	swait.ge [sflag:s19], $0x4000  }
0x72: {  	[sflag:s19] =	ssyncset.done $0x0  }
0x73: {  	[sflag:s19] =	ssyncadd.s32 $0xFFFFC000  }
.LBB2_6:
0x74: {  	s3 =	stileid.u32  }
0x75: {  	s3 =	sshll.u32 s3, $0x6  }
0x76: {  	s31 =	sshrl.u32 s11, $0x3;
	s30 =	sor.u32 $0x1C02, s3  }
0x77: {  	[hbm:s15], [sflag:s30] =	dma.local [spmem:s31], $0x1400  }
0x78: {  	_ =	swait.ge [sflag:s19], $0x1400  }
0x79: {  	[sflag:s19] =	ssyncset.done $0x0  }
0x7a: {  	[sflag:s19] =	ssyncadd.s32 $0xFFFFEC00  }
0x7b: {  	[tilespmem:s21], [sflag:$0x2] =	stream.linear.gather [hbm4b:s9+s4], $0x4000, $0x38;
	[tilespmem:$0xE800] =	vst v63  }
0x7c: {  	_ =	swait.ge [sflag:s19], $0x4000  }
0x7d: {  	[sflag:s19] =	ssyncset.done $0x0  }
0x7e: {  	[sflag:s19] =	ssyncadd.s32 $0xFFFFC000  }
0x7f: {  	[spmem:s11] =	stream.linear.scatter [tilespmem:s21], [sflag:$0x2], $0x4000, $0x38;
	[tilespmem:$0xE800] =	vst v63  }
0x80: {  	_ =	swait.ge [sflag:s19], $0x4000  }
0x81: {  	[sflag:s19] =	ssyncset.done $0x0  }
0x82: {  	[sflag:s19] =	ssyncadd.s32 $0xFFFFC000  }
0x83: {  	[spmem:s13] =	stream.linear.scatter [tilespmem:s21], [sflag:$0x2], $0x4000, $0x38;
	[tilespmem:$0xE800] =	vst v63  }
0x84: {  	_ =	swait.ge [sflag:s19], $0x4000  }
0x85: {  	[sflag:s19] =	ssyncset.done $0x0  }
.Ltmp6:
0x86: {  	[sflag:s19] =	ssyncadd.s32 $0xFFFFC000;
	(pc) =	sbr.rel @p0 .LBB2_12-.Ltmp6, $4  }
0x87: {  	[spmem:s14] =	stream.linear.scatter [tilespmem:s21], [sflag:$0x2], $0x2000, $0x38;
	[tilespmem:$0xE800] =	vst v63  }
0x88: {  	_ =	swait.ge [sflag:s19], $0x2000  }
0x89: {  	[sflag:s19] =	ssyncset.done $0x0  }
0x8a: {  	[sflag:s19] =	ssyncadd.s32 $0xFFFFE000  }
0x8b: {  	p2 =	sne.s32 s29, $0x1  }
.Ltmp7:
0x8c: {  	_ = 	snop;
	(pc) =	sbr.rel @!p2 .LBB2_8-.Ltmp7, $2  }
0x8d: {  	_ =	sdelay $0x2  }
0x8e: {  	s20 =	sadd.s32 $0xFFFFFFFF, s29;
	s3 =	sshrl.u32 s0, $0x3;
	p1 =	por $0x0, $0x0  }
0x8f: {  	s3 =	sadd.s32 s6, s3  }
0x90: {  	[tilespmem:s22], [sflag:$0x2] =	stream.linear.gather [hbm4b:s3+s4], $0x80, $0x38;
	[tilespmem:$0xE800] =	vst v63  }
0x91: {  	s3 =	sadd.s32 $0x28100, s0;
	_ =	swait.ge [sflag:s19], $0x80  }
0x92: {  	s3 =	sshrl.u32 s3, $0x3;
	[sflag:s19] =	ssyncset.done $0x0  }
0x93: {  	s3 =	sadd.s32 s5, s3;
	[sflag:s19] =	ssyncadd.s32 $0xFFFFFF80  }
0x94: {  	[tilespmem:s23], [sflag:$0x2] =	stream.linear.gather [hbm4b:s3+s4], $0x80, $0x38;
	[tilespmem:$0xE800] =	vst v63  }
0x95: {  	_ =	swait.ge [sflag:s19], $0x80  }
0x96: {  	[sflag:s19] =	ssyncset.done $0x0  }
0x97: {  	[sflag:s19] =	ssyncadd.s32 $0xFFFFFF80  }
0x98: {  	[tilespmem:s21], [sflag:$0x1] =	stream.indirect.gather [hbm4b:s1+s24], $0x80, s23, s24, $0xb8;
	[tilespmem:$0xE800] =	vst v63  }
0x99: {  	p2 =	sne.s32 s20, $0x1;
	_ =	swait.ge [sflag:s25], $0x4000  }
.Ltmp8:
0x9a: {  	[sflag:s25] =	ssyncset.done $0x0;
	(pc) =	sbr.rel @!p2 .LBB2_11-.Ltmp8, $4  }
0x9b: {  	[sflag:s25] =	ssyncadd.s32 $0xFFFFC000  }
0x9c: {  	[spmem:s2] =	stream.indirect.scatter.add.f32 [tilespmem:s21], [sflag:$0x2], $0x80, s22, s24, $0xb8;
	[tilespmem:$0xE800] =	vst v63  }
0x9d: {  	s20 =	sadd.s32 $0xFFFFFFFF, s20;
	s28 =	sadd.s32 $0x80, s0;
	_ =	swait.ge [sflag:s19], $0x4000  }
0x9e: {  	p1 =	por $0x1, $0x1;
	s3 =	sshrl.u32 s28, $0x3;
	[sflag:s19] =	ssyncset.done $0x0  }
.LBB2_10:
0x9f: {  	p2 =	sne.s32 s20, $0x1;
	s3 =	sadd.s32 s6, s3;
	[sflag:s19] =	ssyncadd.s32 $0xFFFFC000  }
0xa0: {  	[tilespmem:s22], [sflag:$0x2] =	stream.linear.gather [hbm4b:s3+s4], $0x80, $0x38;
	[tilespmem:$0xE800] =	vst v63  }
0xa1: {  	s20 =	sadd.s32 $0xFFFFFFFF, s20;
	s3 =	sadd.s32 $0x28100, s28;
	_ =	swait.ge [sflag:s19], $0x80  }
0xa2: {  	s3 =	sshrl.u32 s3, $0x3;
	[sflag:s19] =	ssyncset.done $0x0  }
0xa3: {  	s3 =	sadd.s32 s5, s3;
	[sflag:s19] =	ssyncadd.s32 $0xFFFFFF80  }
0xa4: {  	[tilespmem:s23], [sflag:$0x2] =	stream.linear.gather [hbm4b:s3+s4], $0x80, $0x38;
	[tilespmem:$0xE800] =	vst v63  }
0xa5: {  	_ =	swait.ge [sflag:s19], $0x80  }
0xa6: {  	[sflag:s19] =	ssyncset.done $0x0  }
0xa7: {  	[sflag:s19] =	ssyncadd.s32 $0xFFFFFF80  }
0xa8: {  	[tilespmem:s21], [sflag:$0x1] =	stream.indirect.gather [hbm4b:s1+s24], $0x80, s23, s24, $0xb8;
	[tilespmem:$0xE800] =	vst v63  }
0xa9: {  	_ =	swait.ge [sflag:s25], $0x4000  }
.Ltmp9:
0xaa: {  	[sflag:s25] =	ssyncset.done $0x0;
	(pc) =	sbr.rel @p2 .LBB2_10-.Ltmp9, $4  }
0xab: {  	[sflag:s25] =	ssyncadd.s32 $0xFFFFC000  }
0xac: {  	[spmem:s2] =	stream.indirect.scatter.add.f32 [tilespmem:s21], [sflag:$0x2], $0x80, s22, s24, $0xb8;
	[tilespmem:$0xE800] =	vst v63  }
0xad: {  	s28 =	sadd.s32 $0x80, s28;
	_ =	swait.ge [sflag:s19], $0x4000  }
0xae: {  	s3 =	sshrl.u32 s28, $0x3;
	[sflag:s19] =	ssyncset.done $0x0  }
.LBB2_11:
0xaf: {  	s3 =	sadd.s32 s6, s3;
	[sflag:s19] =	ssyncadd.s32 @p1 $0xFFFFC000  }
0xb0: {  	[tilespmem:s22], [sflag:$0x2] =	stream.linear.gather [hbm4b:s3+s4], $0x80, $0x38;
	[tilespmem:$0xE800] =	vst v63  }
0xb1: {  	s28 =	sadd.s32 $0x28100, s28;
	_ =	swait.ge [sflag:s19], $0x80  }
0xb2: {  	s3 =	sshrl.u32 s28, $0x3;
	[sflag:s19] =	ssyncset.done $0x0  }
0xb3: {  	s3 =	sadd.s32 s5, s3;
	[sflag:s19] =	ssyncadd.s32 $0xFFFFFF80  }
0xb4: {  	[tilespmem:s23], [sflag:$0x2] =	stream.linear.gather [hbm4b:s3+s4], $0x80, $0x38;
	[tilespmem:$0xE800] =	vst v63  }
0xb5: {  	_ =	swait.ge [sflag:s19], $0x80  }
0xb6: {  	[sflag:s19] =	ssyncset.done $0x0  }
0xb7: {  	[sflag:s19] =	ssyncadd.s32 $0xFFFFFF80  }
0xb8: {  	[tilespmem:s21], [sflag:$0x1] =	stream.indirect.gather [hbm4b:s1+s24], $0x80, s23, s24, $0xb8;
	[tilespmem:$0xE800] =	vst v63  }
0xb9: {  	_ =	swait.ge [sflag:s25], $0x4000  }
0xba: {  	[sflag:s25] =	ssyncset.done $0x0  }
0xbb: {  	[sflag:s25] =	ssyncadd.s32 $0xFFFFC000  }
0xbc: {  	[spmem:s2] =	stream.indirect.scatter.add.f32 [tilespmem:s21], [sflag:$0x2], $0x80, s22, s24, $0xb8;
	[tilespmem:$0xE800] =	vst v63  }
0xbd: {  	_ =	swait.ge [sflag:s19], $0x4000  }
0xbe: {  	[sflag:s19] =	ssyncset.done $0x0  }
0xbf: {  	[sflag:s19] =	ssyncadd.s32 $0xFFFFC000  }
.LBB2_12:
0xc0: {  	[hbm:s16], [sflag:s30] =	dma.local [spmem:s31], $0x1400  }
0xc1: {  	_ =	swait.ge [sflag:s19], $0x1400  }
0xc2: {  	[sflag:s19] =	ssyncset.done $0x0  }
0xc3: {  	[sflag:s19] =	ssyncadd.s32 $0xFFFFEC00  }
0xc4: {  	[tilespmem:s21], [sflag:$0x2] =	stream.linear.gather [hbm4b:s9+s4], $0x4000, $0x38;
	[tilespmem:$0xE800] =	vst v63  }
0xc5: {  	_ =	swait.ge [sflag:s19], $0x4000  }
0xc6: {  	[sflag:s19] =	ssyncset.done $0x0  }
0xc7: {  	[sflag:s19] =	ssyncadd.s32 $0xFFFFC000  }
0xc8: {  	[spmem:s11] =	stream.linear.scatter [tilespmem:s21], [sflag:$0x2], $0x4000, $0x38;
	[tilespmem:$0xE800] =	vst v63  }
0xc9: {  	_ =	swait.ge [sflag:s19], $0x4000  }
0xca: {  	[sflag:s19] =	ssyncset.done $0x0  }
0xcb: {  	[sflag:s19] =	ssyncadd.s32 $0xFFFFC000  }
0xcc: {  	[spmem:s13] =	stream.linear.scatter [tilespmem:s21], [sflag:$0x2], $0x4000, $0x38;
	[tilespmem:$0xE800] =	vst v63  }
0xcd: {  	_ =	swait.ge [sflag:s19], $0x4000  }
0xce: {  	[sflag:s19] =	ssyncset.done $0x0  }
0xcf: {  	[sflag:s19] =	ssyncadd.s32 $0xFFFFC000  }
0xd0: {  	[spmem:s14] =	stream.linear.scatter [tilespmem:s21], [sflag:$0x2], $0x2000, $0x38;
	[tilespmem:$0xE800] =	vst v63  }
0xd1: {  	_ =	swait.ge [sflag:s19], $0x2000  }
0xd2: {  	[sflag:s19] =	ssyncset.done $0x0  }
.Ltmp10:
0xd3: {  	[sflag:s19] =	ssyncadd.s32 $0xFFFFE000;
	(pc) =	sbr.rel @p0 .LBB2_17-.Ltmp10, $4  }
0xd4: {  	[tilespmem:s21], [sflag:$0x2] =	stream.linear.gather [hbm4b:s10+s4], $0x4000, $0x38;
	[tilespmem:$0xE800] =	vst v63  }
0xd5: {  	_ =	swait.ge [sflag:s19], $0x4000  }
0xd6: {  	[sflag:s19] =	ssyncset.done $0x0  }
0xd7: {  	[sflag:s19] =	ssyncadd.s32 $0xFFFFC000  }
0xd8: {  	p1 =	sne.s32 s29, $0x1  }
.Ltmp11:
0xd9: {  	_ = 	snop;
	(pc) =	sbr.rel @!p1 .LBB2_16-.Ltmp11, $2  }
0xda: {  	_ =	sdelay $0x2  }
0xdb: {  	s20 =	sadd.s32 $0xFFFFFFFF, s29;
	s3 =	sshrl.u32 s0, $0x3;
	p0 =	por $0x0, $0x0  }
0xdc: {  	s3 =	sadd.s32 s6, s3  }
0xdd: {  	[tilespmem:s22], [sflag:$0x2] =	stream.linear.gather [hbm4b:s3+s4], $0x80, $0x38;
	[tilespmem:$0xE800] =	vst v63  }
0xde: {  	p1 =	sne.s32 s20, $0x1;
	_ =	swait.ge [sflag:s19], $0x80  }
.Ltmp12:
0xdf: {  	[sflag:s19] =	ssyncset.done $0x0;
	(pc) =	sbr.rel @!p1 .LBB2_16-.Ltmp12, $4  }
0xe0: {  	[sflag:s19] =	ssyncadd.s32 $0xFFFFFF80  }
0xe1: {  	[spmem:s2] =	stream.indirect.scatter.add.f32 [tilespmem:s21], [sflag:$0x2], $0x80, s22, s24, $0xb8;
	[tilespmem:$0xE800] =	vst v63  }
0xe2: {  	s20 =	sadd.s32 $0xFFFFFFFF, s20;
	s0 =	sadd.s32 $0x80, s0;
	_ =	swait.ge [sflag:s19], $0x4000  }
0xe3: {  	p0 =	por $0x1, $0x1;
	s3 =	sshrl.u32 s0, $0x3;
	[sflag:s19] =	ssyncset.done $0x0  }
.LBB2_15:
0xe4: {  	p1 =	sne.s32 s20, $0x1;
	s3 =	sadd.s32 s6, s3;
	[sflag:s19] =	ssyncadd.s32 $0xFFFFC000  }
0xe5: {  	[tilespmem:s22], [sflag:$0x2] =	stream.linear.gather [hbm4b:s3+s4], $0x80, $0x38;
	[tilespmem:$0xE800] =	vst v63  }
0xe6: {  	s20 =	sadd.s32 $0xFFFFFFFF, s20;
	_ =	swait.ge [sflag:s19], $0x80  }
.Ltmp13:
0xe7: {  	[sflag:s19] =	ssyncset.done $0x0;
	(pc) =	sbr.rel @p1 .LBB2_15-.Ltmp13, $4  }
0xe8: {  	[sflag:s19] =	ssyncadd.s32 $0xFFFFFF80  }
0xe9: {  	[spmem:s2] =	stream.indirect.scatter.add.f32 [tilespmem:s21], [sflag:$0x2], $0x80, s22, s24, $0xb8;
	[tilespmem:$0xE800] =	vst v63  }
0xea: {  	s0 =	sadd.s32 $0x80, s0;
	_ =	swait.ge [sflag:s19], $0x4000  }
0xeb: {  	s3 =	sshrl.u32 s0, $0x3;
	[sflag:s19] =	ssyncset.done $0x0  }
.Ltmp14:
0xec: {  	_ = 	snop;
	(pc) =	sbr.rel .LBB2_16-.Ltmp14, $1  }
0xed: {  	_ =	sdelay $0x3  }
.LBB2_8:
.Ltmp15:
0xee: {  	(pc) =	sbr.rel .LBB2_11-.Ltmp15, $2  }
0xef: {  	_ =	sdelay $0x2  }
0xf0: {  	s28 =	smov.u32 s0  }
.LBB2_18:
0xf1: {  	_ =	sfence.sel $0x180000  }
0xf2: {  	[bflag:$0x0] =	sbarrier.arrive $0xFFFF  }
0xf3: {  	_ =	strace $0x90000056  }
0xf4: {  	s0 =	stileid.u32;
	[bflag:$0x2] =	sbarrier.arrive $0xFFFF  }
0xf5: {  	p0 =	sne.s32 s0, $0x0;
	s0 =	rddreg [dreg:$0x3]  }
0xf6: {  	s0 =	sadd.s32 @!p0 $0x100000, s0  }
0xf7: {  	[sflag:s0] =	ssyncadd.tile.s32 @!p0 $0x1;
	_ =	shalt  }
.Lfunc_end2:
_tile_overlayer_lowered:
.L_overlay_start_2:
0xf8: {  	(tag) =	ssettag $0x2  }
0xf9: {  	s0 =	rddreg [dreg:$0x0];
	s2 =	stileid.u32  }
0xfa: {  	s1 =	rddreg [dreg:$0x1];
	p0 =	sne.s32 s2, $0x0  }
0xfb: {  	s3 =	rddreg [dreg:$0x2];
	[bflag:$0x3] =	sbarrier.arrive $0xFFFF;
	s2 =	simm.s32 @!p0 $0x1C02  }
0xfc: {  	[timem:s3], [sflag:s2] =	dma.local @!p0 [hbm:s0], s1  }
0xfd: {  	s0 =	simm.s32 @!p0 $0x2  }
0xfe: {  	_ =	swait.ge @!p0 [sflag:s0], s1  }
0xff: {  	s1 =	ssub.s32 @!p0 $0x0, s1;
	[sflag:s0] =	ssyncset.done @!p0 $0x0  }
0x100: {  	[sflag:s0] =	ssyncadd.s32 @!p0 s1  }
0x101: {  	[bflag:$0x3] =	sbarrier.arrive $0xFFFF  }
0x102: {  	_ =	shalt  }

</sc_bundles>
